<compile_context>
chip_gen: v7x
topology: tpu7x:2x2x1
jax: 0.10.2.dev20260603
libtpu: 0.0.44.dev20260713+nightly
codegen_flags: <defaults>
</compile_context>

<pallas_src>
import functools

import jax
import jax.numpy as jnp
from jax import lax
from jax.experimental import pallas as pl
from jax.experimental.pallas import tpu as pltpu
from jax.experimental.pallas import tpu_sc as plsc

_N_NODES = 100000
_D = 128
_N_LEAVES = 5000
_LPAD = 5120

_SC_ROWS_PER_W = 800
_SC_CHUNK = 200
_SC_ROWS = 32 * _SC_ROWS_PER_W
_TC_ROWS = _N_NODES - _SC_ROWS


def _make_sc_gather():
    info = plsc.get_sparse_core_info()
    nc, ns = info.num_cores, info.num_subcores
    nw = nc * ns
    b_per_w = _LPAD // nw
    mesh = plsc.VectorSubcoreMesh(core_axis_name="c", subcore_axis_name="s")
    n_chunks = _SC_ROWS_PER_W // _SC_CHUNK

    @functools.partial(
        pl.kernel,
        mesh=mesh,
        out_type=(
            jax.ShapeDtypeStruct((_N_LEAVES, _D), jnp.float32),
            jax.ShapeDtypeStruct((nw, _D), jnp.float32),
        ),
        scratch_types=[
            pltpu.VMEM((b_per_w,), jnp.int32),
            pltpu.VMEM((b_per_w, _D), jnp.float32),
            pltpu.VMEM((_SC_CHUNK, _D), jnp.float32),
            pltpu.VMEM((_SC_CHUNK, _D), jnp.float32),
            pltpu.VMEM((_D,), jnp.float32),
            pltpu.SemaphoreType.DMA,
            pltpu.SemaphoreType.DMA,
            pltpu.SemaphoreType.DMA,
        ],
    )
    def gather_k(table_hbm, idx_hbm, out_hbm, psum_hbm,
                 idx_v, rows_v, buf0, buf1, acc_v, sem, s0, s1):
        wid = lax.axis_index("s") * nc + lax.axis_index("c")

        base = jnp.minimum(wid * b_per_w, _N_LEAVES - b_per_w)
        pltpu.sync_copy(idx_hbm.at[pl.ds(base, b_per_w)], idx_v)
        gat = pltpu.async_copy(table_hbm.at[idx_v], rows_v, sem)

        row0 = _TC_ROWS + wid * _SC_ROWS_PER_W
        bufs, sems = (buf0, buf1), (s0, s1)
        copies = [None, None]
        copies[0] = pltpu.async_copy(
            table_hbm.at[pl.ds(row0, _SC_CHUNK)], buf0, s0)
        acc = [jnp.zeros((16,), jnp.float32) for _ in range(8)]
        for j in range(n_chunks):
            if j + 1 < n_chunks:
                copies[(j + 1) % 2] = pltpu.async_copy(
                    table_hbm.at[pl.ds(row0 + (j + 1) * _SC_CHUNK, _SC_CHUNK)],
                    bufs[(j + 1) % 2], sems[(j + 1) % 2])
            copies[j % 2].wait()
            buf = bufs[j % 2]

            def body(r, carry):
                out = list(carry)
                for u in range(4):
                    for k in range(8):
                        out[k] = out[k] + buf[4 * r + u, pl.ds(16 * k, 16)]
                return tuple(out)

            acc = list(lax.fori_loop(0, _SC_CHUNK // 4, body, tuple(acc)))
        for k in range(8):
            acc_v[pl.ds(16 * k, 16)] = acc[k]
        pltpu.sync_copy(acc_v, psum_hbm.at[wid])

        gat.wait()
        pltpu.sync_copy(rows_v, out_hbm.at[pl.ds(base, b_per_w)])

    return gather_k


_sc_gather_cache = []


def _sc_gather(table, idx):
    if not _sc_gather_cache:
        _sc_gather_cache.append(_make_sc_gather())
    return _sc_gather_cache[0](table, idx)


_SUM_BLOCK = 24800


def _sum_body(x_ref, out_ref):
    @pl.when(pl.program_id(0) == 0)
    def _():
        out_ref[...] = jnp.zeros_like(out_ref)

    out_ref[...] += jnp.sum(x_ref[...], axis=0, keepdims=True)


def _col_sum(node_embs):
    return pl.pallas_call(
        _sum_body,
        grid=(_TC_ROWS // _SUM_BLOCK,),
        in_specs=[pl.BlockSpec((_SUM_BLOCK, _D), lambda i: (i, 0))],
        out_specs=pl.BlockSpec((1, _D), lambda i: (0, 0)),
        out_shape=jax.ShapeDtypeStruct((1, _D), jnp.float32),
    )(node_embs)


def _mlp_body(g_ref, sum_ref, psum_ref, w1_ref, b1_ref, w2_ref, out_ref):
    total = sum_ref[...] + jnp.sum(psum_ref[...], axis=0, keepdims=True)
    graph = total * (1.0 / _N_NODES)
    w1 = w1_ref[...]
    c = jnp.dot(graph, w1[_D:, :], preferred_element_type=jnp.float32)
    c = c + b1_ref[...]
    h = jnp.dot(g_ref[...], w1[:_D, :], preferred_element_type=jnp.float32)
    h = jnp.maximum(h + c, 0.0)
    s = jnp.sum(h * w2_ref[...], axis=1, keepdims=True)
    s1 = s.reshape(_N_LEAVES)
    e = jnp.exp(s1 - jnp.max(s1))
    out_ref[...] = e * (1.0 / jnp.sum(e))


def _mlp(g, col_sum, psum, W1, b1, w2_row):
    return pl.pallas_call(
        _mlp_body,
        in_specs=[
            pl.BlockSpec((_N_LEAVES, _D), lambda: (0, 0)),
            pl.BlockSpec((1, _D), lambda: (0, 0)),
            pl.BlockSpec((32, _D), lambda: (0, 0)),
            pl.BlockSpec((2 * _D, _D), lambda: (0, 0)),
            pl.BlockSpec((1, _D), lambda: (0, 0)),
            pl.BlockSpec((1, _D), lambda: (0, 0)),
        ],
        out_specs=pl.BlockSpec((_N_LEAVES,), lambda: (0,)),
        out_shape=jax.ShapeDtypeStruct((_N_LEAVES,), jnp.float32),
    )(g, col_sum, psum, W1, b1, w2_row)


def kernel(node_embs, leave_inds, W1, b1, W2, b2):
    g, psum = _sc_gather(node_embs, leave_inds.astype(jnp.int32))
    col_sum = _col_sum(node_embs)
    del b2
    return _mlp(g, col_sum, psum, W1, b1.reshape(1, _D), W2.reshape(1, _D))

# --- scband reference (transcript-rebuilt; emitter-appended) ---
"""Pipeline reference for scband-pos-choser-52561809768550 (READ-ONLY COPY).

The authoritative reference and input builder live on the scoring server;
editing this copy changes nothing except your own understanding.
"""

import jax, jax.numpy as jnp
import numpy as np

N_NODES = 100000
NODE_DIM = 128
N_LEAVES = 5000


def setup_inputs(seed: int = 0) -> dict:
    key = jax.random.key(seed)
    k1, k2, k3, k4, k5, k6 = jax.random.split(key, 6)
    node_embs = jax.random.normal(k1, (N_NODES, NODE_DIM), dtype=jnp.float32)
    leave_inds = jax.random.randint(k2, (N_LEAVES,), 0, N_NODES, dtype=jnp.int64 if jax.config.jax_enable_x64 else jnp.int32)
    inp_dim = NODE_DIM * 2
    # score_cal = Linear(inp_dim, node_dim) -> ReLU -> Dropout(eval: identity) -> Linear(node_dim, 1)
    lim1 = 1.0 / np.sqrt(inp_dim)
    W1 = jax.random.uniform(k3, (inp_dim, NODE_DIM), dtype=jnp.float32, minval=-lim1, maxval=lim1)
    b1 = jax.random.uniform(k4, (NODE_DIM,), dtype=jnp.float32, minval=-lim1, maxval=lim1)
    lim2 = 1.0 / np.sqrt(NODE_DIM)
    W2 = jax.random.uniform(k5, (NODE_DIM, 1), dtype=jnp.float32, minval=-lim2, maxval=lim2)
    b2 = jax.random.uniform(k6, (1,), dtype=jnp.float32, minval=-lim2, maxval=lim2)
    return {"node_embs": node_embs, "leave_inds": leave_inds, "W1": W1, "b1": b1, "W2": W2, "b2": b2}


def reference(node_embs, leave_inds, W1, b1, W2, b2):
    # graph_hidden = aggregation of all node embeddings (the_aggr -> mean pooling)
    graph_hidden = jnp.mean(node_embs, axis=0)  # [node_dim]
    # repeat graph vector for every node and concat with per-node embeddings
    graph_rep = jnp.broadcast_to(graph_hidden[None, :], node_embs.shape)  # [N, node_dim]
    node_hidden = jnp.concatenate([node_embs, graph_rep], axis=1)  # [N, 2*node_dim]
    # gather leaf states
    leave_states = jnp.take(node_hidden, leave_inds, axis=0)  # [L, 2*node_dim]
    # score_cal MLP (dropout is identity in eval)
    h = jnp.maximum(leave_states @ W1 + b1, 0.0)
    scores = (h @ W2 + b2).squeeze(-1)  # [L]
    scores = jax.nn.softmax(scores)
    return scores

if __name__ == "__main__":
    import jax
    _d = setup_inputs()
    print(jax.jit(kernel)(*tuple(_d.values())))

</pallas_src>

<mosaic_0001>
#map = affine_map<(d0, d1) -> (0, 0)>
#map1 = affine_map<(d0, d1) -> (0)>
module attributes {stable_mosaic.version = 14 : i64} {
  func.func @gather_k(%arg0: i32, %arg1: i32, %arg2: memref<100000x128xf32, #tpu.memory_space<hbm>>, %arg3: memref<5000xi32, #tpu.memory_space<hbm>>, %arg4: memref<5000x128xf32, #tpu.memory_space<hbm>>, %arg5: memref<32x128xf32, #tpu.memory_space<hbm>>, %arg6: memref<160xi32, #tpu.memory_space<vmem>>, %arg7: memref<160x128xf32, #tpu.memory_space<vmem>>, %arg8: memref<200x128xf32, #tpu.memory_space<vmem>>, %arg9: memref<200x128xf32, #tpu.memory_space<vmem>>, %arg10: memref<128xf32, #tpu.memory_space<vmem>>, %arg11: memref<!tpu.dma_semaphore, #tpu.memory_space<semaphore_mem>>, %arg12: memref<!tpu.dma_semaphore, #tpu.memory_space<semaphore_mem>>, %arg13: memref<!tpu.dma_semaphore, #tpu.memory_space<semaphore_mem>>) attributes {dimension_semantics = [#tpu.dimension_semantics<core_parallel>, #tpu.dimension_semantics<subcore_parallel>], iteration_bounds = array<i64: 2, 16>, scalar_prefetch = 0 : i64, scratch_operands = 8 : i64, tpu.core_type = #tpu.core_type<sc_vector_subcore>, window_params = [{transform_indices = #map}, {transform_indices = #map1}, {transform_indices = #map}, {transform_indices = #map}]} {
    %mul3A = arith.constant 2 : i32
    %mul3A_0 = arith.muli %arg1, %mul3A : i32
    %add3A = arith.addi %mul3A_0, %arg0 : i32
    %mul3A_1 = arith.constant 160 : i32
    %mul3A_2 = arith.muli %add3A, %mul3A_1 : i32
    %min3A = arith.constant 4840 : i32
    %min3A_3 = arith.minsi %mul3A_2, %min3A : i32
    "tpu.region"() ({
      %run_scoped3A = tpu.sem_alloc : memref<!tpu.dma_semaphore, #tpu.memory_space<semaphore_mem>>
      %dma_start3A_119 = tpu.memref_slice %arg3[%min3A_3] : memref<5000xi32, #tpu.memory_space<hbm>> -> memref<160xi32, #tpu.memory_space<hbm>>
      %dma_start3A_120 = tpu.memref_slice %arg3[%min3A_3] : memref<5000xi32, #tpu.memory_space<hbm>> -> memref<160xi32, #tpu.memory_space<hbm>>
      tpu.enqueue_dma source(%dma_start3A_120 : memref<160xi32, #tpu.memory_space<hbm>>) target(%arg6 : memref<160xi32, #tpu.memory_space<vmem>>) target_semaphore(%run_scoped3A : memref<!tpu.dma_semaphore, #tpu.memory_space<semaphore_mem>>)
      %dma_wait3A_121 = tpu.memref_slice %arg3[%min3A_3] : memref<5000xi32, #tpu.memory_space<hbm>> -> memref<160xi32, #tpu.memory_space<hbm>>
      %dma_wait3A_122 = tpu.memref_slice %arg3[%min3A_3] : memref<5000xi32, #tpu.memory_space<hbm>> -> memref<160xi32, #tpu.memory_space<hbm>>
      tpu.wait_dma2 semaphore(%run_scoped3A : memref<!tpu.dma_semaphore, #tpu.memory_space<semaphore_mem>>) src(%dma_wait3A_122 : memref<160xi32, #tpu.memory_space<hbm>>) dst(%arg6 : memref<160xi32, #tpu.memory_space<vmem>>)
      tpu.yield
    }) : () -> ()
    %dma_start3A = arith.constant 0 : i32
    %dma_start3A_4 = arith.constant 0 : i32
    %dma_start3A_5 = tpu.memref_slice %arg2[%dma_start3A, %dma_start3A_4] : memref<100000x128xf32, #tpu.memory_space<hbm>> -> memref<100000x128xf32, #tpu.memory_space<hbm>>
    tpu.enqueue_indirect_dma source(%dma_start3A_5 : memref<100000x128xf32, #tpu.memory_space<hbm>>) target(%arg7 : memref<160x128xf32, #tpu.memory_space<vmem>>) offsets(%arg6 : memref<160xi32, #tpu.memory_space<vmem>>) semaphore(%arg11 : memref<!tpu.dma_semaphore, #tpu.memory_space<semaphore_mem>>)
    %mul3A_6 = arith.constant 800 : i32
    %mul3A_7 = arith.muli %add3A, %mul3A_6 : i32
    %add3A_8 = arith.constant 74400 : i32
    %add3A_9 = arith.addi %add3A_8, %mul3A_7 : i32
    %dma_start3A_10 = arith.constant 0 : i32
    %dma_start3A_11 = tpu.memref_slice %arg2[%add3A_9, %dma_start3A_10] : memref<100000x128xf32, #tpu.memory_space<hbm>> -> memref<200x128xf32, #tpu.memory_space<hbm>>
    %dma_start3A_12 = arith.constant 0 : i32
    %dma_start3A_13 = tpu.memref_slice %arg2[%add3A_9, %dma_start3A_12] : memref<100000x128xf32, #tpu.memory_space<hbm>> -> memref<200x128xf32, #tpu.memory_space<hbm>>
    tpu.enqueue_dma source(%dma_start3A_13 : memref<200x128xf32, #tpu.memory_space<hbm>>) target(%arg8 : memref<200x128xf32, #tpu.memory_space<vmem>>) target_semaphore(%arg12 : memref<!tpu.dma_semaphore, #tpu.memory_space<semaphore_mem>>)
    %broadcast_in_dim3A = arith.constant 0.000000e+00 : f32
    %broadcast_in_dim3A_14 = vector.broadcast %broadcast_in_dim3A : f32 to vector<16xf32>
    %broadcast_in_dim3A_15 = arith.constant 0.000000e+00 : f32
    %broadcast_in_dim3A_16 = vector.broadcast %broadcast_in_dim3A_15 : f32 to vector<16xf32>
    %broadcast_in_dim3A_17 = arith.constant 0.000000e+00 : f32
    %broadcast_in_dim3A_18 = vector.broadcast %broadcast_in_dim3A_17 : f32 to vector<16xf32>
    %broadcast_in_dim3A_19 = arith.constant 0.000000e+00 : f32
    %broadcast_in_dim3A_20 = vector.broadcast %broadcast_in_dim3A_19 : f32 to vector<16xf32>
    %broadcast_in_dim3A_21 = arith.constant 0.000000e+00 : f32
    %broadcast_in_dim3A_22 = vector.broadcast %broadcast_in_dim3A_21 : f32 to vector<16xf32>
    %broadcast_in_dim3A_23 = arith.constant 0.000000e+00 : f32
    %broadcast_in_dim3A_24 = vector.broadcast %broadcast_in_dim3A_23 : f32 to vector<16xf32>
    %broadcast_in_dim3A_25 = arith.constant 0.000000e+00 : f32
    %broadcast_in_dim3A_26 = vector.broadcast %broadcast_in_dim3A_25 : f32 to vector<16xf32>
    %broadcast_in_dim3A_27 = arith.constant 0.000000e+00 : f32
    %broadcast_in_dim3A_28 = vector.broadcast %broadcast_in_dim3A_27 : f32 to vector<16xf32>
    %add3A_29 = arith.constant 200 : i32
    %add3A_30 = arith.addi %add3A_9, %add3A_29 : i32
    %dma_start3A_31 = arith.constant 0 : i32
    %dma_start3A_32 = tpu.memref_slice %arg2[%add3A_30, %dma_start3A_31] : memref<100000x128xf32, #tpu.memory_space<hbm>> -> memref<200x128xf32, #tpu.memory_space<hbm>>
    %dma_start3A_33 = arith.constant 0 : i32
    %dma_start3A_34 = tpu.memref_slice %arg2[%add3A_30, %dma_start3A_33] : memref<100000x128xf32, #tpu.memory_space<hbm>> -> memref<200x128xf32, #tpu.memory_space<hbm>>
    tpu.enqueue_dma source(%dma_start3A_34 : memref<200x128xf32, #tpu.memory_space<hbm>>) target(%arg9 : memref<200x128xf32, #tpu.memory_space<vmem>>) target_semaphore(%arg13 : memref<!tpu.dma_semaphore, #tpu.memory_space<semaphore_mem>>)
    %dma_wait3A = arith.constant 0 : i32
    %dma_wait3A_35 = tpu.memref_slice %arg2[%add3A_9, %dma_wait3A] : memref<100000x128xf32, #tpu.memory_space<hbm>> -> memref<200x128xf32, #tpu.memory_space<hbm>>
    %dma_wait3A_36 = arith.constant 0 : i32
    %dma_wait3A_37 = tpu.memref_slice %arg2[%add3A_9, %dma_wait3A_36] : memref<100000x128xf32, #tpu.memory_space<hbm>> -> memref<200x128xf32, #tpu.memory_space<hbm>>
    tpu.wait_dma2 semaphore(%arg12 : memref<!tpu.dma_semaphore, #tpu.memory_space<semaphore_mem>>) src(%dma_wait3A_37 : memref<200x128xf32, #tpu.memory_space<hbm>>) dst(%arg8 : memref<200x128xf32, #tpu.memory_space<vmem>>)
    %scan3A = arith.constant 0 : i32
    %scan3A_38 = arith.constant 50 : i32
    %scan3A_39 = arith.addi %scan3A, %scan3A_38 : i32
    %scan3A_40 = arith.constant 1 : i32
    %scan3A_41:8 = scf.for %scan3A_119 = %scan3A to %scan3A_39 step %scan3A_40 iter_args(%scan3A_120 = %broadcast_in_dim3A_14, %scan3A_121 = %broadcast_in_dim3A_16, %scan3A_122 = %broadcast_in_dim3A_18, %scan3A_123 = %broadcast_in_dim3A_20, %scan3A_124 = %broadcast_in_dim3A_22, %scan3A_125 = %broadcast_in_dim3A_24, %scan3A_126 = %broadcast_in_dim3A_26, %scan3A_127 = %broadcast_in_dim3A_28) -> (vector<16xf32>, vector<16xf32>, vector<16xf32>, vector<16xf32>, vector<16xf32>, vector<16xf32>, vector<16xf32>, vector<16xf32>)  : i32 {
      %mul3A_128 = arith.constant 4 : i32
      %mul3A_129 = arith.muli %mul3A_128, %scan3A_119 : i32
      %add3A_130 = arith.constant 0 : i32
      %add3A_131 = arith.addi %mul3A_129, %add3A_130 : i32
      %get3A = arith.index_cast %add3A_131 : i32 to index
      %get3A_132 = arith.constant 0 : index
      %get3A_133 = tpu.vector_load %arg8[%get3A, %get3A_132] {strides = array<i32>} : memref<200x128xf32, #tpu.memory_space<vmem>>, vector<1x16xf32>,
      %get3A_134 = vector.shape_cast %get3A_133 : vector<1x16xf32> to vector<16xf32>
      %add3A_135 = arith.addf %scan3A_120, %get3A_134 : vector<16xf32>
      %mul3A_136 = arith.constant 4 : i32
      %mul3A_137 = arith.muli %mul3A_136, %scan3A_119 : i32
      %add3A_138 = arith.constant 0 : i32
      %add3A_139 = arith.addi %mul3A_137, %add3A_138 : i32
      %get3A_140 = arith.index_cast %add3A_139 : i32 to index
      %get3A_141 = arith.constant 16 : index
      %get3A_142 = tpu.vector_load %arg8[%get3A_140, %get3A_141] {strides = array<i32>} : memref<200x128xf32, #tpu.memory_space<vmem>>, vector<1x16xf32>,
      %get3A_143 = vector.shape_cast %get3A_142 : vector<1x16xf32> to vector<16xf32>
      %add3A_144 = arith.addf %scan3A_121, %get3A_143 : vector<16xf32>
      %mul3A_145 = arith.constant 4 : i32
      %mul3A_146 = arith.muli %mul3A_145, %scan3A_119 : i32
      %add3A_147 = arith.constant 0 : i32
      %add3A_148 = arith.addi %mul3A_146, %add3A_147 : i32
      %get3A_149 = arith.index_cast %add3A_148 : i32 to index
      %get3A_150 = arith.constant 32 : index
      %get3A_151 = tpu.vector_load %arg8[%get3A_149, %get3A_150] {strides = array<i32>} : memref<200x128xf32, #tpu.memory_space<vmem>>, vector<1x16xf32>,
      %get3A_152 = vector.shape_cast %get3A_151 : vector<1x16xf32> to vector<16xf32>
      %add3A_153 = arith.addf %scan3A_122, %get3A_152 : vector<16xf32>
      %mul3A_154 = arith.constant 4 : i32
      %mul3A_155 = arith.muli %mul3A_154, %scan3A_119 : i32
      %add3A_156 = arith.constant 0 : i32
      %add3A_157 = arith.addi %mul3A_155, %add3A_156 : i32
      %get3A_158 = arith.index_cast %add3A_157 : i32 to index
      %get3A_159 = arith.constant 48 : index
      %get3A_160 = tpu.vector_load %arg8[%get3A_158, %get3A_159] {strides = array<i32>} : memref<200x128xf32, #tpu.memory_space<vmem>>, vector<1x16xf32>,
      %get3A_161 = vector.shape_cast %get3A_160 : vector<1x16xf32> to vector<16xf32>
      %add3A_162 = arith.addf %scan3A_123, %get3A_161 : vector<16xf32>
      %mul3A_163 = arith.constant 4 : i32
      %mul3A_164 = arith.muli %mul3A_163, %scan3A_119 : i32
      %add3A_165 = arith.constant 0 : i32
      %add3A_166 = arith.addi %mul3A_164, %add3A_165 : i32
      %get3A_167 = arith.index_cast %add3A_166 : i32 to index
      %get3A_168 = arith.constant 64 : index
      %get3A_169 = tpu.vector_load %arg8[%get3A_167, %get3A_168] {strides = array<i32>} : memref<200x128xf32, #tpu.memory_space<vmem>>, vector<1x16xf32>,
      %get3A_170 = vector.shape_cast %get3A_169 : vector<1x16xf32> to vector<16xf32>
      %add3A_171 = arith.addf %scan3A_124, %get3A_170 : vector<16xf32>
      %mul3A_172 = arith.constant 4 : i32
      %mul3A_173 = arith.muli %mul3A_172, %scan3A_119 : i32
      %add3A_174 = arith.constant 0 : i32
      %add3A_175 = arith.addi %mul3A_173, %add3A_174 : i32
      %get3A_176 = arith.index_cast %add3A_175 : i32 to index
      %get3A_177 = arith.constant 80 : index
      %get3A_178 = tpu.vector_load %arg8[%get3A_176, %get3A_177] {strides = array<i32>} : memref<200x128xf32, #tpu.memory_space<vmem>>, vector<1x16xf32>,
      %get3A_179 = vector.shape_cast %get3A_178 : vector<1x16xf32> to vector<16xf32>
      %add3A_180 = arith.addf %scan3A_125, %get3A_179 : vector<16xf32>
      %mul3A_181 = arith.constant 4 : i32
      %mul3A_182 = arith.muli %mul3A_181, %scan3A_119 : i32
      %add3A_183 = arith.constant 0 : i32
      %add3A_184 = arith.addi %mul3A_182, %add3A_183 : i32
      %get3A_185 = arith.index_cast %add3A_184 : i32 to index
      %get3A_186 = arith.constant 96 : index
      %get3A_187 = tpu.vector_load %arg8[%get3A_185, %get3A_186] {strides = array<i32>} : memref<200x128xf32, #tpu.memory_space<vmem>>, vector<1x16xf32>,
      %get3A_188 = vector.shape_cast %get3A_187 : vector<1x16xf32> to vector<16xf32>
      %add3A_189 = arith.addf %scan3A_126, %get3A_188 : vector<16xf32>
      %mul3A_190 = arith.constant 4 : i32
      %mul3A_191 = arith.muli %mul3A_190, %scan3A_119 : i32
      %add3A_192 = arith.constant 0 : i32
      %add3A_193 = arith.addi %mul3A_191, %add3A_192 : i32
      %get3A_194 = arith.index_cast %add3A_193 : i32 to index
      %get3A_195 = arith.constant 112 : index
      %get3A_196 = tpu.vector_load %arg8[%get3A_194, %get3A_195] {strides = array<i32>} : memref<200x128xf32, #tpu.memory_space<vmem>>, vector<1x16xf32>,
      %get3A_197 = vector.shape_cast %get3A_196 : vector<1x16xf32> to vector<16xf32>
      %add3A_198 = arith.addf %scan3A_127, %get3A_197 : vector<16xf32>
      %mul3A_199 = arith.constant 4 : i32
      %mul3A_200 = arith.muli %mul3A_199, %scan3A_119 : i32
      %add3A_201 = arith.constant 1 : i32
      %add3A_202 = arith.addi %mul3A_200, %add3A_201 : i32
      %get3A_203 = arith.index_cast %add3A_202 : i32 to index
      %get3A_204 = arith.constant 0 : index
      %get3A_205 = tpu.vector_load %arg8[%get3A_203, %get3A_204] {strides = array<i32>} : memref<200x128xf32, #tpu.memory_space<vmem>>, vector<1x16xf32>,
      %get3A_206 = vector.shape_cast %get3A_205 : vector<1x16xf32> to vector<16xf32>
      %add3A_207 = arith.addf %add3A_135, %get3A_206 : vector<16xf32>
      %mul3A_208 = arith.constant 4 : i32
      %mul3A_209 = arith.muli %mul3A_208, %scan3A_119 : i32
      %add3A_210 = arith.constant 1 : i32
      %add3A_211 = arith.addi %mul3A_209, %add3A_210 : i32
      %get3A_212 = arith.index_cast %add3A_211 : i32 to index
      %get3A_213 = arith.constant 16 : index
      %get3A_214 = tpu.vector_load %arg8[%get3A_212, %get3A_213] {strides = array<i32>} : memref<200x128xf32, #tpu.memory_space<vmem>>, vector<1x16xf32>,
      %get3A_215 = vector.shape_cast %get3A_214 : vector<1x16xf32> to vector<16xf32>
      %add3A_216 = arith.addf %add3A_144, %get3A_215 : vector<16xf32>
      %mul3A_217 = arith.constant 4 : i32
      %mul3A_218 = arith.muli %mul3A_217, %scan3A_119 : i32
      %add3A_219 = arith.constant 1 : i32
      %add3A_220 = arith.addi %mul3A_218, %add3A_219 : i32
      %get3A_221 = arith.index_cast %add3A_220 : i32 to index
      %get3A_222 = arith.constant 32 : index
      %get3A_223 = tpu.vector_load %arg8[%get3A_221, %get3A_222] {strides = array<i32>} : memref<200x128xf32, #tpu.memory_space<vmem>>, vector<1x16xf32>,
      %get3A_224 = vector.shape_cast %get3A_223 : vector<1x16xf32> to vector<16xf32>
      %add3A_225 = arith.addf %add3A_153, %get3A_224 : vector<16xf32>
      %mul3A_226 = arith.constant 4 : i32
      %mul3A_227 = arith.muli %mul3A_226, %scan3A_119 : i32
      %add3A_228 = arith.constant 1 : i32
      %add3A_229 = arith.addi %mul3A_227, %add3A_228 : i32
      %get3A_230 = arith.index_cast %add3A_229 : i32 to index
      %get3A_231 = arith.constant 48 : index
      %get3A_232 = tpu.vector_load %arg8[%get3A_230, %get3A_231] {strides = array<i32>} : memref<200x128xf32, #tpu.memory_space<vmem>>, vector<1x16xf32>,
      %get3A_233 = vector.shape_cast %get3A_232 : vector<1x16xf32> to vector<16xf32>
      %add3A_234 = arith.addf %add3A_162, %get3A_233 : vector<16xf32>
      %mul3A_235 = arith.constant 4 : i32
      %mul3A_236 = arith.muli %mul3A_235, %scan3A_119 : i32
      %add3A_237 = arith.constant 1 : i32
      %add3A_238 = arith.addi %mul3A_236, %add3A_237 : i32
      %get3A_239 = arith.index_cast %add3A_238 : i32 to index
      %get3A_240 = arith.constant 64 : index
      %get3A_241 = tpu.vector_load %arg8[%get3A_239, %get3A_240] {strides = array<i32>} : memref<200x128xf32, #tpu.memory_space<vmem>>, vector<1x16xf32>,
      %get3A_242 = vector.shape_cast %get3A_241 : vector<1x16xf32> to vector<16xf32>
      %add3A_243 = arith.addf %add3A_171, %get3A_242 : vector<16xf32>
      %mul3A_244 = arith.constant 4 : i32
      %mul3A_245 = arith.muli %mul3A_244, %scan3A_119 : i32
      %add3A_246 = arith.constant 1 : i32
      %add3A_247 = arith.addi %mul3A_245, %add3A_246 : i32
      %get3A_248 = arith.index_cast %add3A_247 : i32 to index
      %get3A_249 = arith.constant 80 : index
      %get3A_250 = tpu.vector_load %arg8[%get3A_248, %get3A_249] {strides = array<i32>} : memref<200x128xf32, #tpu.memory_space<vmem>>, vector<1x16xf32>,
      %get3A_251 = vector.shape_cast %get3A_250 : vector<1x16xf32> to vector<16xf32>
      %add3A_252 = arith.addf %add3A_180, %get3A_251 : vector<16xf32>
      %mul3A_253 = arith.constant 4 : i32
      %mul3A_254 = arith.muli %mul3A_253, %scan3A_119 : i32
      %add3A_255 = arith.constant 1 : i32
      %add3A_256 = arith.addi %mul3A_254, %add3A_255 : i32
      %get3A_257 = arith.index_cast %add3A_256 : i32 to index
      %get3A_258 = arith.constant 96 : index
      %get3A_259 = tpu.vector_load %arg8[%get3A_257, %get3A_258] {strides = array<i32>} : memref<200x128xf32, #tpu.memory_space<vmem>>, vector<1x16xf32>,
      %get3A_260 = vector.shape_cast %get3A_259 : vector<1x16xf32> to vector<16xf32>
      %add3A_261 = arith.addf %add3A_189, %get3A_260 : vector<16xf32>
      %mul3A_262 = arith.constant 4 : i32
      %mul3A_263 = arith.muli %mul3A_262, %scan3A_119 : i32
      %add3A_264 = arith.constant 1 : i32
      %add3A_265 = arith.addi %mul3A_263, %add3A_264 : i32
      %get3A_266 = arith.index_cast %add3A_265 : i32 to index
      %get3A_267 = arith.constant 112 : index
      %get3A_268 = tpu.vector_load %arg8[%get3A_266, %get3A_267] {strides = array<i32>} : memref<200x128xf32, #tpu.memory_space<vmem>>, vector<1x16xf32>,
      %get3A_269 = vector.shape_cast %get3A_268 : vector<1x16xf32> to vector<16xf32>
      %add3A_270 = arith.addf %add3A_198, %get3A_269 : vector<16xf32>
      %mul3A_271 = arith.constant 4 : i32
      %mul3A_272 = arith.muli %mul3A_271, %scan3A_119 : i32
      %add3A_273 = arith.constant 2 : i32
      %add3A_274 = arith.addi %mul3A_272, %add3A_273 : i32
      %get3A_275 = arith.index_cast %add3A_274 : i32 to index
      %get3A_276 = arith.constant 0 : index
      %get3A_277 = tpu.vector_load %arg8[%get3A_275, %get3A_276] {strides = array<i32>} : memref<200x128xf32, #tpu.memory_space<vmem>>, vector<1x16xf32>,
      %get3A_278 = vector.shape_cast %get3A_277 : vector<1x16xf32> to vector<16xf32>
      %add3A_279 = arith.addf %add3A_207, %get3A_278 : vector<16xf32>
      %mul3A_280 = arith.constant 4 : i32
      %mul3A_281 = arith.muli %mul3A_280, %scan3A_119 : i32
      %add3A_282 = arith.constant 2 : i32
      %add3A_283 = arith.addi %mul3A_281, %add3A_282 : i32
      %get3A_284 = arith.index_cast %add3A_283 : i32 to index
      %get3A_285 = arith.constant 16 : index
      %get3A_286 = tpu.vector_load %arg8[%get3A_284, %get3A_285] {strides = array<i32>} : memref<200x128xf32, #tpu.memory_space<vmem>>, vector<1x16xf32>,
      %get3A_287 = vector.shape_cast %get3A_286 : vector<1x16xf32> to vector<16xf32>
      %add3A_288 = arith.addf %add3A_216, %get3A_287 : vector<16xf32>
      %mul3A_289 = arith.constant 4 : i32
      %mul3A_290 = arith.muli %mul3A_289, %scan3A_119 : i32
      %add3A_291 = arith.constant 2 : i32
      %add3A_292 = arith.addi %mul3A_290, %add3A_291 : i32
      %get3A_293 = arith.index_cast %add3A_292 : i32 to index
      %get3A_294 = arith.constant 32 : index
      %get3A_295 = tpu.vector_load %arg8[%get3A_293, %get3A_294] {strides = array<i32>} : memref<200x128xf32, #tpu.memory_space<vmem>>, vector<1x16xf32>,
      %get3A_296 = vector.shape_cast %get3A_295 : vector<1x16xf32> to vector<16xf32>
      %add3A_297 = arith.addf %add3A_225, %get3A_296 : vector<16xf32>
      %mul3A_298 = arith.constant 4 : i32
      %mul3A_299 = arith.muli %mul3A_298, %scan3A_119 : i32
      %add3A_300 = arith.constant 2 : i32
      %add3A_301 = arith.addi %mul3A_299, %add3A_300 : i32
      %get3A_302 = arith.index_cast %add3A_301 : i32 to index
      %get3A_303 = arith.constant 48 : index
      %get3A_304 = tpu.vector_load %arg8[%get3A_302, %get3A_303] {strides = array<i32>} : memref<200x128xf32, #tpu.memory_space<vmem>>, vector<1x16xf32>,
      %get3A_305 = vector.shape_cast %get3A_304 : vector<1x16xf32> to vector<16xf32>
      %add3A_306 = arith.addf %add3A_234, %get3A_305 : vector<16xf32>
      %mul3A_307 = arith.constant 4 : i32
      %mul3A_308 = arith.muli %mul3A_307, %scan3A_119 : i32
      %add3A_309 = arith.constant 2 : i32
      %add3A_310 = arith.addi %mul3A_308, %add3A_309 : i32
      %get3A_311 = arith.index_cast %add3A_310 : i32 to index
      %get3A_312 = arith.constant 64 : index
      %get3A_313 = tpu.vector_load %arg8[%get3A_311, %get3A_312] {strides = array<i32>} : memref<200x128xf32, #tpu.memory_space<vmem>>, vector<1x16xf32>,
      %get3A_314 = vector.shape_cast %get3A_313 : vector<1x16xf32> to vector<16xf32>
      %add3A_315 = arith.addf %add3A_243, %get3A_314 : vector<16xf32>
      %mul3A_316 = arith.constant 4 : i32
      %mul3A_317 = arith.muli %mul3A_316, %scan3A_119 : i32
      %add3A_318 = arith.constant 2 : i32
      %add3A_319 = arith.addi %mul3A_317, %add3A_318 : i32
      %get3A_320 = arith.index_cast %add3A_319 : i32 to index
      %get3A_321 = arith.constant 80 : index
      %get3A_322 = tpu.vector_load %arg8[%get3A_320, %get3A_321] {strides = array<i32>} : memref<200x128xf32, #tpu.memory_space<vmem>>, vector<1x16xf32>,
      %get3A_323 = vector.shape_cast %get3A_322 : vector<1x16xf32> to vector<16xf32>
      %add3A_324 = arith.addf %add3A_252, %get3A_323 : vector<16xf32>
      %mul3A_325 = arith.constant 4 : i32
      %mul3A_326 = arith.muli %mul3A_325, %scan3A_119 : i32
      %add3A_327 = arith.constant 2 : i32
      %add3A_328 = arith.addi %mul3A_326, %add3A_327 : i32
      %get3A_329 = arith.index_cast %add3A_328 : i32 to index
      %get3A_330 = arith.constant 96 : index
      %get3A_331 = tpu.vector_load %arg8[%get3A_329, %get3A_330] {strides = array<i32>} : memref<200x128xf32, #tpu.memory_space<vmem>>, vector<1x16xf32>,
      %get3A_332 = vector.shape_cast %get3A_331 : vector<1x16xf32> to vector<16xf32>
      %add3A_333 = arith.addf %add3A_261, %get3A_332 : vector<16xf32>
      %mul3A_334 = arith.constant 4 : i32
      %mul3A_335 = arith.muli %mul3A_334, %scan3A_119 : i32
      %add3A_336 = arith.constant 2 : i32
      %add3A_337 = arith.addi %mul3A_335, %add3A_336 : i32
      %get3A_338 = arith.index_cast %add3A_337 : i32 to index
      %get3A_339 = arith.constant 112 : index
      %get3A_340 = tpu.vector_load %arg8[%get3A_338, %get3A_339] {strides = array<i32>} : memref<200x128xf32, #tpu.memory_space<vmem>>, vector<1x16xf32>,
      %get3A_341 = vector.shape_cast %get3A_340 : vector<1x16xf32> to vector<16xf32>
      %add3A_342 = arith.addf %add3A_270, %get3A_341 : vector<16xf32>
      %mul3A_343 = arith.constant 4 : i32
      %mul3A_344 = arith.muli %mul3A_343, %scan3A_119 : i32
      %add3A_345 = arith.constant 3 : i32
      %add3A_346 = arith.addi %mul3A_344, %add3A_345 : i32
      %get3A_347 = arith.index_cast %add3A_346 : i32 to index
      %get3A_348 = arith.constant 0 : index
      %get3A_349 = tpu.vector_load %arg8[%get3A_347, %get3A_348] {strides = array<i32>} : memref<200x128xf32, #tpu.memory_space<vmem>>, vector<1x16xf32>,
      %get3A_350 = vector.shape_cast %get3A_349 : vector<1x16xf32> to vector<16xf32>
      %add3A_351 = arith.addf %add3A_279, %get3A_350 : vector<16xf32>
      %mul3A_352 = arith.constant 4 : i32
      %mul3A_353 = arith.muli %mul3A_352, %scan3A_119 : i32
      %add3A_354 = arith.constant 3 : i32
      %add3A_355 = arith.addi %mul3A_353, %add3A_354 : i32
      %get3A_356 = arith.index_cast %add3A_355 : i32 to index
      %get3A_357 = arith.constant 16 : index
      %get3A_358 = tpu.vector_load %arg8[%get3A_356, %get3A_357] {strides = array<i32>} : memref<200x128xf32, #tpu.memory_space<vmem>>, vector<1x16xf32>,
      %get3A_359 = vector.shape_cast %get3A_358 : vector<1x16xf32> to vector<16xf32>
      %add3A_360 = arith.addf %add3A_288, %get3A_359 : vector<16xf32>
      %mul3A_361 = arith.constant 4 : i32
      %mul3A_362 = arith.muli %mul3A_361, %scan3A_119 : i32
      %add3A_363 = arith.constant 3 : i32
      %add3A_364 = arith.addi %mul3A_362, %add3A_363 : i32
      %get3A_365 = arith.index_cast %add3A_364 : i32 to index
      %get3A_366 = arith.constant 32 : index
      %get3A_367 = tpu.vector_load %arg8[%get3A_365, %get3A_366] {strides = array<i32>} : memref<200x128xf32, #tpu.memory_space<vmem>>, vector<1x16xf32>,
      %get3A_368 = vector.shape_cast %get3A_367 : vector<1x16xf32> to vector<16xf32>
      %add3A_369 = arith.addf %add3A_297, %get3A_368 : vector<16xf32>
      %mul3A_370 = arith.constant 4 : i32
      %mul3A_371 = arith.muli %mul3A_370, %scan3A_119 : i32
      %add3A_372 = arith.constant 3 : i32
      %add3A_373 = arith.addi %mul3A_371, %add3A_372 : i32
      %get3A_374 = arith.index_cast %add3A_373 : i32 to index
      %get3A_375 = arith.constant 48 : index
      %get3A_376 = tpu.vector_load %arg8[%get3A_374, %get3A_375] {strides = array<i32>} : memref<200x128xf32, #tpu.memory_space<vmem>>, vector<1x16xf32>,
      %get3A_377 = vector.shape_cast %get3A_376 : vector<1x16xf32> to vector<16xf32>
      %add3A_378 = arith.addf %add3A_306, %get3A_377 : vector<16xf32>
      %mul3A_379 = arith.constant 4 : i32
      %mul3A_380 = arith.muli %mul3A_379, %scan3A_119 : i32
      %add3A_381 = arith.constant 3 : i32
      %add3A_382 = arith.addi %mul3A_380, %add3A_381 : i32
      %get3A_383 = arith.index_cast %add3A_382 : i32 to index
      %get3A_384 = arith.constant 64 : index
      %get3A_385 = tpu.vector_load %arg8[%get3A_383, %get3A_384] {strides = array<i32>} : memref<200x128xf32, #tpu.memory_space<vmem>>, vector<1x16xf32>,
      %get3A_386 = vector.shape_cast %get3A_385 : vector<1x16xf32> to vector<16xf32>
      %add3A_387 = arith.addf %add3A_315, %get3A_386 : vector<16xf32>
      %mul3A_388 = arith.constant 4 : i32
      %mul3A_389 = arith.muli %mul3A_388, %scan3A_119 : i32
      %add3A_390 = arith.constant 3 : i32
      %add3A_391 = arith.addi %mul3A_389, %add3A_390 : i32
      %get3A_392 = arith.index_cast %add3A_391 : i32 to index
      %get3A_393 = arith.constant 80 : index
      %get3A_394 = tpu.vector_load %arg8[%get3A_392, %get3A_393] {strides = array<i32>} : memref<200x128xf32, #tpu.memory_space<vmem>>, vector<1x16xf32>,
      %get3A_395 = vector.shape_cast %get3A_394 : vector<1x16xf32> to vector<16xf32>
      %add3A_396 = arith.addf %add3A_324, %get3A_395 : vector<16xf32>
      %mul3A_397 = arith.constant 4 : i32
      %mul3A_398 = arith.muli %mul3A_397, %scan3A_119 : i32
      %add3A_399 = arith.constant 3 : i32
      %add3A_400 = arith.addi %mul3A_398, %add3A_399 : i32
      %get3A_401 = arith.index_cast %add3A_400 : i32 to index
      %get3A_402 = arith.constant 96 : index
      %get3A_403 = tpu.vector_load %arg8[%get3A_401, %get3A_402] {strides = array<i32>} : memref<200x128xf32, #tpu.memory_space<vmem>>, vector<1x16xf32>,
      %get3A_404 = vector.shape_cast %get3A_403 : vector<1x16xf32> to vector<16xf32>
      %add3A_405 = arith.addf %add3A_333, %get3A_404 : vector<16xf32>
      %mul3A_406 = arith.constant 4 : i32
      %mul3A_407 = arith.muli %mul3A_406, %scan3A_119 : i32
      %add3A_408 = arith.constant 3 : i32
      %add3A_409 = arith.addi %mul3A_407, %add3A_408 : i32
      %get3A_410 = arith.index_cast %add3A_409 : i32 to index
      %get3A_411 = arith.constant 112 : index
      %get3A_412 = tpu.vector_load %arg8[%get3A_410, %get3A_411] {strides = array<i32>} : memref<200x128xf32, #tpu.memory_space<vmem>>, vector<1x16xf32>,
      %get3A_413 = vector.shape_cast %get3A_412 : vector<1x16xf32> to vector<16xf32>
      %add3A_414 = arith.addf %add3A_342, %get3A_413 : vector<16xf32>
      scf.yield %add3A_351, %add3A_360, %add3A_369, %add3A_378, %add3A_387, %add3A_396, %add3A_405, %add3A_414 : vector<16xf32>, vector<16xf32>, vector<16xf32>, vector<16xf32>, vector<16xf32>, vector<16xf32>, vector<16xf32>, vector<16xf32>
    }
    %scan3A_42 = arith.constant 50 : i32
    %add3A_43 = arith.constant 400 : i32
    %add3A_44 = arith.addi %add3A_9, %add3A_43 : i32
    %dma_start3A_45 = arith.constant 0 : i32
    %dma_start3A_46 = tpu.memref_slice %arg2[%add3A_44, %dma_start3A_45] : memref<100000x128xf32, #tpu.memory_space<hbm>> -> memref<200x128xf32, #tpu.memory_space<hbm>>
    %dma_start3A_47 = arith.constant 0 : i32
    %dma_start3A_48 = tpu.memref_slice %arg2[%add3A_44, %dma_start3A_47] : memref<100000x128xf32, #tpu.memory_space<hbm>> -> memref<200x128xf32, #tpu.memory_space<hbm>>
    tpu.enqueue_dma source(%dma_start3A_48 : memref<200x128xf32, #tpu.memory_space<hbm>>) target(%arg8 : memref<200x128xf32, #tpu.memory_space<vmem>>) target_semaphore(%arg12 : memref<!tpu.dma_semaphore, #tpu.memory_space<semaphore_mem>>)
    %dma_wait3A_49 = arith.constant 0 : i32
    %dma_wait3A_50 = tpu.memref_slice %arg2[%add3A_30, %dma_wait3A_49] : memref<100000x128xf32, #tpu.memory_space<hbm>> -> memref<200x128xf32, #tpu.memory_space<hbm>>
    %dma_wait3A_51 = arith.constant 0 : i32
    %dma_wait3A_52 = tpu.memref_slice %arg2[%add3A_30, %dma_wait3A_51] : memref<100000x128xf32, #tpu.memory_space<hbm>> -> memref<200x128xf32, #tpu.memory_space<hbm>>
    tpu.wait_dma2 semaphore(%arg13 : memref<!tpu.dma_semaphore, #tpu.memory_space<semaphore_mem>>) src(%dma_wait3A_52 : memref<200x128xf32, #tpu.memory_space<hbm>>) dst(%arg9 : memref<200x128xf32, #tpu.memory_space<vmem>>)
    %scan3A_53 = arith.constant 0 : i32
    %scan3A_54 = arith.constant 50 : i32
    %scan3A_55 = arith.addi %scan3A_53, %scan3A_54 : i32
    %scan3A_56 = arith.constant 1 : i32
    %scan3A_57:8 = scf.for %scan3A_119 = %scan3A_53 to %scan3A_55 step %scan3A_56 iter_args(%scan3A_120 = %scan3A_41#0, %scan3A_121 = %scan3A_41#1, %scan3A_122 = %scan3A_41#2, %scan3A_123 = %scan3A_41#3, %scan3A_124 = %scan3A_41#4, %scan3A_125 = %scan3A_41#5, %scan3A_126 = %scan3A_41#6, %scan3A_127 = %scan3A_41#7) -> (vector<16xf32>, vector<16xf32>, vector<16xf32>, vector<16xf32>, vector<16xf32>, vector<16xf32>, vector<16xf32>, vector<16xf32>)  : i32 {
      %mul3A_128 = arith.constant 4 : i32
      %mul3A_129 = arith.muli %mul3A_128, %scan3A_119 : i32
      %add3A_130 = arith.constant 0 : i32
      %add3A_131 = arith.addi %mul3A_129, %add3A_130 : i32
      %get3A = arith.index_cast %add3A_131 : i32 to index
      %get3A_132 = arith.constant 0 : index
      %get3A_133 = tpu.vector_load %arg9[%get3A, %get3A_132] {strides = array<i32>} : memref<200x128xf32, #tpu.memory_space<vmem>>, vector<1x16xf32>,
      %get3A_134 = vector.shape_cast %get3A_133 : vector<1x16xf32> to vector<16xf32>
      %add3A_135 = arith.addf %scan3A_120, %get3A_134 : vector<16xf32>
      %mul3A_136 = arith.constant 4 : i32
      %mul3A_137 = arith.muli %mul3A_136, %scan3A_119 : i32
      %add3A_138 = arith.constant 0 : i32
      %add3A_139 = arith.addi %mul3A_137, %add3A_138 : i32
      %get3A_140 = arith.index_cast %add3A_139 : i32 to index
      %get3A_141 = arith.constant 16 : index
      %get3A_142 = tpu.vector_load %arg9[%get3A_140, %get3A_141] {strides = array<i32>} : memref<200x128xf32, #tpu.memory_space<vmem>>, vector<1x16xf32>,
      %get3A_143 = vector.shape_cast %get3A_142 : vector<1x16xf32> to vector<16xf32>
      %add3A_144 = arith.addf %scan3A_121, %get3A_143 : vector<16xf32>
      %mul3A_145 = arith.constant 4 : i32
      %mul3A_146 = arith.muli %mul3A_145, %scan3A_119 : i32
      %add3A_147 = arith.constant 0 : i32
      %add3A_148 = arith.addi %mul3A_146, %add3A_147 : i32
      %get3A_149 = arith.index_cast %add3A_148 : i32 to index
      %get3A_150 = arith.constant 32 : index
      %get3A_151 = tpu.vector_load %arg9[%get3A_149, %get3A_150] {strides = array<i32>} : memref<200x128xf32, #tpu.memory_space<vmem>>, vector<1x16xf32>,
      %get3A_152 = vector.shape_cast %get3A_151 : vector<1x16xf32> to vector<16xf32>
      %add3A_153 = arith.addf %scan3A_122, %get3A_152 : vector<16xf32>
      %mul3A_154 = arith.constant 4 : i32
      %mul3A_155 = arith.muli %mul3A_154, %scan3A_119 : i32
      %add3A_156 = arith.constant 0 : i32
      %add3A_157 = arith.addi %mul3A_155, %add3A_156 : i32
      %get3A_158 = arith.index_cast %add3A_157 : i32 to index
      %get3A_159 = arith.constant 48 : index
      %get3A_160 = tpu.vector_load %arg9[%get3A_158, %get3A_159] {strides = array<i32>} : memref<200x128xf32, #tpu.memory_space<vmem>>, vector<1x16xf32>,
      %get3A_161 = vector.shape_cast %get3A_160 : vector<1x16xf32> to vector<16xf32>
      %add3A_162 = arith.addf %scan3A_123, %get3A_161 : vector<16xf32>
      %mul3A_163 = arith.constant 4 : i32
      %mul3A_164 = arith.muli %mul3A_163, %scan3A_119 : i32
      %add3A_165 = arith.constant 0 : i32
      %add3A_166 = arith.addi %mul3A_164, %add3A_165 : i32
      %get3A_167 = arith.index_cast %add3A_166 : i32 to index
      %get3A_168 = arith.constant 64 : index
      %get3A_169 = tpu.vector_load %arg9[%get3A_167, %get3A_168] {strides = array<i32>} : memref<200x128xf32, #tpu.memory_space<vmem>>, vector<1x16xf32>,
      %get3A_170 = vector.shape_cast %get3A_169 : vector<1x16xf32> to vector<16xf32>
      %add3A_171 = arith.addf %scan3A_124, %get3A_170 : vector<16xf32>
      %mul3A_172 = arith.constant 4 : i32
      %mul3A_173 = arith.muli %mul3A_172, %scan3A_119 : i32
      %add3A_174 = arith.constant 0 : i32
      %add3A_175 = arith.addi %mul3A_173, %add3A_174 : i32
      %get3A_176 = arith.index_cast %add3A_175 : i32 to index
      %get3A_177 = arith.constant 80 : index
      %get3A_178 = tpu.vector_load %arg9[%get3A_176, %get3A_177] {strides = array<i32>} : memref<200x128xf32, #tpu.memory_space<vmem>>, vector<1x16xf32>,
      %get3A_179 = vector.shape_cast %get3A_178 : vector<1x16xf32> to vector<16xf32>
      %add3A_180 = arith.addf %scan3A_125, %get3A_179 : vector<16xf32>
      %mul3A_181 = arith.constant 4 : i32
      %mul3A_182 = arith.muli %mul3A_181, %scan3A_119 : i32
      %add3A_183 = arith.constant 0 : i32
      %add3A_184 = arith.addi %mul3A_182, %add3A_183 : i32
      %get3A_185 = arith.index_cast %add3A_184 : i32 to index
      %get3A_186 = arith.constant 96 : index
      %get3A_187 = tpu.vector_load %arg9[%get3A_185, %get3A_186] {strides = array<i32>} : memref<200x128xf32, #tpu.memory_space<vmem>>, vector<1x16xf32>,
      %get3A_188 = vector.shape_cast %get3A_187 : vector<1x16xf32> to vector<16xf32>
      %add3A_189 = arith.addf %scan3A_126, %get3A_188 : vector<16xf32>
      %mul3A_190 = arith.constant 4 : i32
      %mul3A_191 = arith.muli %mul3A_190, %scan3A_119 : i32
      %add3A_192 = arith.constant 0 : i32
      %add3A_193 = arith.addi %mul3A_191, %add3A_192 : i32
      %get3A_194 = arith.index_cast %add3A_193 : i32 to index
      %get3A_195 = arith.constant 112 : index
      %get3A_196 = tpu.vector_load %arg9[%get3A_194, %get3A_195] {strides = array<i32>} : memref<200x128xf32, #tpu.memory_space<vmem>>, vector<1x16xf32>,
      %get3A_197 = vector.shape_cast %get3A_196 : vector<1x16xf32> to vector<16xf32>
      %add3A_198 = arith.addf %scan3A_127, %get3A_197 : vector<16xf32>
      %mul3A_199 = arith.constant 4 : i32
      %mul3A_200 = arith.muli %mul3A_199, %scan3A_119 : i32
      %add3A_201 = arith.constant 1 : i32
      %add3A_202 = arith.addi %mul3A_200, %add3A_201 : i32
      %get3A_203 = arith.index_cast %add3A_202 : i32 to index
      %get3A_204 = arith.constant 0 : index
      %get3A_205 = tpu.vector_load %arg9[%get3A_203, %get3A_204] {strides = array<i32>} : memref<200x128xf32, #tpu.memory_space<vmem>>, vector<1x16xf32>,
      %get3A_206 = vector.shape_cast %get3A_205 : vector<1x16xf32> to vector<16xf32>
      %add3A_207 = arith.addf %add3A_135, %get3A_206 : vector<16xf32>
      %mul3A_208 = arith.constant 4 : i32
      %mul3A_209 = arith.muli %mul3A_208, %scan3A_119 : i32
      %add3A_210 = arith.constant 1 : i32
      %add3A_211 = arith.addi %mul3A_209, %add3A_210 : i32
      %get3A_212 = arith.index_cast %add3A_211 : i32 to index
      %get3A_213 = arith.constant 16 : index
      %get3A_214 = tpu.vector_load %arg9[%get3A_212, %get3A_213] {strides = array<i32>} : memref<200x128xf32, #tpu.memory_space<vmem>>, vector<1x16xf32>,
      %get3A_215 = vector.shape_cast %get3A_214 : vector<1x16xf32> to vector<16xf32>
      %add3A_216 = arith.addf %add3A_144, %get3A_215 : vector<16xf32>
      %mul3A_217 = arith.constant 4 : i32
      %mul3A_218 = arith.muli %mul3A_217, %scan3A_119 : i32
      %add3A_219 = arith.constant 1 : i32
      %add3A_220 = arith.addi %mul3A_218, %add3A_219 : i32
      %get3A_221 = arith.index_cast %add3A_220 : i32 to index
      %get3A_222 = arith.constant 32 : index
      %get3A_223 = tpu.vector_load %arg9[%get3A_221, %get3A_222] {strides = array<i32>} : memref<200x128xf32, #tpu.memory_space<vmem>>, vector<1x16xf32>,
      %get3A_224 = vector.shape_cast %get3A_223 : vector<1x16xf32> to vector<16xf32>
      %add3A_225 = arith.addf %add3A_153, %get3A_224 : vector<16xf32>
      %mul3A_226 = arith.constant 4 : i32
      %mul3A_227 = arith.muli %mul3A_226, %scan3A_119 : i32
      %add3A_228 = arith.constant 1 : i32
      %add3A_229 = arith.addi %mul3A_227, %add3A_228 : i32
      %get3A_230 = arith.index_cast %add3A_229 : i32 to index
      %get3A_231 = arith.constant 48 : index
      %get3A_232 = tpu.vector_load %arg9[%get3A_230, %get3A_231] {strides = array<i32>} : memref<200x128xf32, #tpu.memory_space<vmem>>, vector<1x16xf32>,
      %get3A_233 = vector.shape_cast %get3A_232 : vector<1x16xf32> to vector<16xf32>
      %add3A_234 = arith.addf %add3A_162, %get3A_233 : vector<16xf32>
      %mul3A_235 = arith.constant 4 : i32
      %mul3A_236 = arith.muli %mul3A_235, %scan3A_119 : i32
      %add3A_237 = arith.constant 1 : i32
      %add3A_238 = arith.addi %mul3A_236, %add3A_237 : i32
      %get3A_239 = arith.index_cast %add3A_238 : i32 to index
      %get3A_240 = arith.constant 64 : index
      %get3A_241 = tpu.vector_load %arg9[%get3A_239, %get3A_240] {strides = array<i32>} : memref<200x128xf32, #tpu.memory_space<vmem>>, vector<1x16xf32>,
      %get3A_242 = vector.shape_cast %get3A_241 : vector<1x16xf32> to vector<16xf32>
      %add3A_243 = arith.addf %add3A_171, %get3A_242 : vector<16xf32>
      %mul3A_244 = arith.constant 4 : i32
      %mul3A_245 = arith.muli %mul3A_244, %scan3A_119 : i32
      %add3A_246 = arith.constant 1 : i32
      %add3A_247 = arith.addi %mul3A_245, %add3A_246 : i32
      %get3A_248 = arith.index_cast %add3A_247 : i32 to index
      %get3A_249 = arith.constant 80 : index
      %get3A_250 = tpu.vector_load %arg9[%get3A_248, %get3A_249] {strides = array<i32>} : memref<200x128xf32, #tpu.memory_space<vmem>>, vector<1x16xf32>,
      %get3A_251 = vector.shape_cast %get3A_250 : vector<1x16xf32> to vector<16xf32>
      %add3A_252 = arith.addf %add3A_180, %get3A_251 : vector<16xf32>
      %mul3A_253 = arith.constant 4 : i32
      %mul3A_254 = arith.muli %mul3A_253, %scan3A_119 : i32
      %add3A_255 = arith.constant 1 : i32
      %add3A_256 = arith.addi %mul3A_254, %add3A_255 : i32
      %get3A_257 = arith.index_cast %add3A_256 : i32 to index
      %get3A_258 = arith.constant 96 : index
      %get3A_259 = tpu.vector_load %arg9[%get3A_257, %get3A_258] {strides = array<i32>} : memref<200x128xf32, #tpu.memory_space<vmem>>, vector<1x16xf32>,
      %get3A_260 = vector.shape_cast %get3A_259 : vector<1x16xf32> to vector<16xf32>
      %add3A_261 = arith.addf %add3A_189, %get3A_260 : vector<16xf32>
      %mul3A_262 = arith.constant 4 : i32
      %mul3A_263 = arith.muli %mul3A_262, %scan3A_119 : i32
      %add3A_264 = arith.constant 1 : i32
      %add3A_265 = arith.addi %mul3A_263, %add3A_264 : i32
      %get3A_266 = arith.index_cast %add3A_265 : i32 to index
      %get3A_267 = arith.constant 112 : index
      %get3A_268 = tpu.vector_load %arg9[%get3A_266, %get3A_267] {strides = array<i32>} : memref<200x128xf32, #tpu.memory_space<vmem>>, vector<1x16xf32>,
      %get3A_269 = vector.shape_cast %get3A_268 : vector<1x16xf32> to vector<16xf32>
      %add3A_270 = arith.addf %add3A_198, %get3A_269 : vector<16xf32>
      %mul3A_271 = arith.constant 4 : i32
      %mul3A_272 = arith.muli %mul3A_271, %scan3A_119 : i32
      %add3A_273 = arith.constant 2 : i32
      %add3A_274 = arith.addi %mul3A_272, %add3A_273 : i32
      %get3A_275 = arith.index_cast %add3A_274 : i32 to index
      %get3A_276 = arith.constant 0 : index
      %get3A_277 = tpu.vector_load %arg9[%get3A_275, %get3A_276] {strides = array<i32>} : memref<200x128xf32, #tpu.memory_space<vmem>>, vector<1x16xf32>,
      %get3A_278 = vector.shape_cast %get3A_277 : vector<1x16xf32> to vector<16xf32>
      %add3A_279 = arith.addf %add3A_207, %get3A_278 : vector<16xf32>
      %mul3A_280 = arith.constant 4 : i32
      %mul3A_281 = arith.muli %mul3A_280, %scan3A_119 : i32
      %add3A_282 = arith.constant 2 : i32
      %add3A_283 = arith.addi %mul3A_281, %add3A_282 : i32
      %get3A_284 = arith.index_cast %add3A_283 : i32 to index
      %get3A_285 = arith.constant 16 : index
      %get3A_286 = tpu.vector_load %arg9[%get3A_284, %get3A_285] {strides = array<i32>} : memref<200x128xf32, #tpu.memory_space<vmem>>, vector<1x16xf32>,
      %get3A_287 = vector.shape_cast %get3A_286 : vector<1x16xf32> to vector<16xf32>
      %add3A_288 = arith.addf %add3A_216, %get3A_287 : vector<16xf32>
      %mul3A_289 = arith.constant 4 : i32
      %mul3A_290 = arith.muli %mul3A_289, %scan3A_119 : i32
      %add3A_291 = arith.constant 2 : i32
      %add3A_292 = arith.addi %mul3A_290, %add3A_291 : i32
      %get3A_293 = arith.index_cast %add3A_292 : i32 to index
      %get3A_294 = arith.constant 32 : index
      %get3A_295 = tpu.vector_load %arg9[%get3A_293, %get3A_294] {strides = array<i32>} : memref<200x128xf32, #tpu.memory_space<vmem>>, vector<1x16xf32>,
      %get3A_296 = vector.shape_cast %get3A_295 : vector<1x16xf32> to vector<16xf32>
      %add3A_297 = arith.addf %add3A_225, %get3A_296 : vector<16xf32>
      %mul3A_298 = arith.constant 4 : i32
      %mul3A_299 = arith.muli %mul3A_298, %scan3A_119 : i32
      %add3A_300 = arith.constant 2 : i32
      %add3A_301 = arith.addi %mul3A_299, %add3A_300 : i32
      %get3A_302 = arith.index_cast %add3A_301 : i32 to index
      %get3A_303 = arith.constant 48 : index
      %get3A_304 = tpu.vector_load %arg9[%get3A_302, %get3A_303] {strides = array<i32>} : memref<200x128xf32, #tpu.memory_space<vmem>>, vector<1x16xf32>,
      %get3A_305 = vector.shape_cast %get3A_304 : vector<1x16xf32> to vector<16xf32>
      %add3A_306 = arith.addf %add3A_234, %get3A_305 : vector<16xf32>
      %mul3A_307 = arith.constant 4 : i32
      %mul3A_308 = arith.muli %mul3A_307, %scan3A_119 : i32
      %add3A_309 = arith.constant 2 : i32
      %add3A_310 = arith.addi %mul3A_308, %add3A_309 : i32
      %get3A_311 = arith.index_cast %add3A_310 : i32 to index
      %get3A_312 = arith.constant 64 : index
      %get3A_313 = tpu.vector_load %arg9[%get3A_311, %get3A_312] {strides = array<i32>} : memref<200x128xf32, #tpu.memory_space<vmem>>, vector<1x16xf32>,
      %get3A_314 = vector.shape_cast %get3A_313 : vector<1x16xf32> to vector<16xf32>
      %add3A_315 = arith.addf %add3A_243, %get3A_314 : vector<16xf32>
      %mul3A_316 = arith.constant 4 : i32
      %mul3A_317 = arith.muli %mul3A_316, %scan3A_119 : i32
      %add3A_318 = arith.constant 2 : i32
      %add3A_319 = arith.addi %mul3A_317, %add3A_318 : i32
      %get3A_320 = arith.index_cast %add3A_319 : i32 to index
      %get3A_321 = arith.constant 80 : index
      %get3A_322 = tpu.vector_load %arg9[%get3A_320, %get3A_321] {strides = array<i32>} : memref<200x128xf32, #tpu.memory_space<vmem>>, vector<1x16xf32>,
      %get3A_323 = vector.shape_cast %get3A_322 : vector<1x16xf32> to vector<16xf32>
      %add3A_324 = arith.addf %add3A_252, %get3A_323 : vector<16xf32>
      %mul3A_325 = arith.constant 4 : i32
      %mul3A_326 = arith.muli %mul3A_325, %scan3A_119 : i32
      %add3A_327 = arith.constant 2 : i32
      %add3A_328 = arith.addi %mul3A_326, %add3A_327 : i32
      %get3A_329 = arith.index_cast %add3A_328 : i32 to index
      %get3A_330 = arith.constant 96 : index
      %get3A_331 = tpu.vector_load %arg9[%get3A_329, %get3A_330] {strides = array<i32>} : memref<200x128xf32, #tpu.memory_space<vmem>>, vector<1x16xf32>,
      %get3A_332 = vector.shape_cast %get3A_331 : vector<1x16xf32> to vector<16xf32>
      %add3A_333 = arith.addf %add3A_261, %get3A_332 : vector<16xf32>
      %mul3A_334 = arith.constant 4 : i32
      %mul3A_335 = arith.muli %mul3A_334, %scan3A_119 : i32
      %add3A_336 = arith.constant 2 : i32
      %add3A_337 = arith.addi %mul3A_335, %add3A_336 : i32
      %get3A_338 = arith.index_cast %add3A_337 : i32 to index
      %get3A_339 = arith.constant 112 : index
      %get3A_340 = tpu.vector_load %arg9[%get3A_338, %get3A_339] {strides = array<i32>} : memref<200x128xf32, #tpu.memory_space<vmem>>, vector<1x16xf32>,
      %get3A_341 = vector.shape_cast %get3A_340 : vector<1x16xf32> to vector<16xf32>
      %add3A_342 = arith.addf %add3A_270, %get3A_341 : vector<16xf32>
      %mul3A_343 = arith.constant 4 : i32
      %mul3A_344 = arith.muli %mul3A_343, %scan3A_119 : i32
      %add3A_345 = arith.constant 3 : i32
      %add3A_346 = arith.addi %mul3A_344, %add3A_345 : i32
      %get3A_347 = arith.index_cast %add3A_346 : i32 to index
      %get3A_348 = arith.constant 0 : index
      %get3A_349 = tpu.vector_load %arg9[%get3A_347, %get3A_348] {strides = array<i32>} : memref<200x128xf32, #tpu.memory_space<vmem>>, vector<1x16xf32>,
      %get3A_350 = vector.shape_cast %get3A_349 : vector<1x16xf32> to vector<16xf32>
      %add3A_351 = arith.addf %add3A_279, %get3A_350 : vector<16xf32>
      %mul3A_352 = arith.constant 4 : i32
      %mul3A_353 = arith.muli %mul3A_352, %scan3A_119 : i32
      %add3A_354 = arith.constant 3 : i32
      %add3A_355 = arith.addi %mul3A_353, %add3A_354 : i32
      %get3A_356 = arith.index_cast %add3A_355 : i32 to index
      %get3A_357 = arith.constant 16 : index
      %get3A_358 = tpu.vector_load %arg9[%get3A_356, %get3A_357] {strides = array<i32>} : memref<200x128xf32, #tpu.memory_space<vmem>>, vector<1x16xf32>,
      %get3A_359 = vector.shape_cast %get3A_358 : vector<1x16xf32> to vector<16xf32>
      %add3A_360 = arith.addf %add3A_288, %get3A_359 : vector<16xf32>
      %mul3A_361 = arith.constant 4 : i32
      %mul3A_362 = arith.muli %mul3A_361, %scan3A_119 : i32
      %add3A_363 = arith.constant 3 : i32
      %add3A_364 = arith.addi %mul3A_362, %add3A_363 : i32
      %get3A_365 = arith.index_cast %add3A_364 : i32 to index
      %get3A_366 = arith.constant 32 : index
      %get3A_367 = tpu.vector_load %arg9[%get3A_365, %get3A_366] {strides = array<i32>} : memref<200x128xf32, #tpu.memory_space<vmem>>, vector<1x16xf32>,
      %get3A_368 = vector.shape_cast %get3A_367 : vector<1x16xf32> to vector<16xf32>
      %add3A_369 = arith.addf %add3A_297, %get3A_368 : vector<16xf32>
      %mul3A_370 = arith.constant 4 : i32
      %mul3A_371 = arith.muli %mul3A_370, %scan3A_119 : i32
      %add3A_372 = arith.constant 3 : i32
      %add3A_373 = arith.addi %mul3A_371, %add3A_372 : i32
      %get3A_374 = arith.index_cast %add3A_373 : i32 to index
      %get3A_375 = arith.constant 48 : index
      %get3A_376 = tpu.vector_load %arg9[%get3A_374, %get3A_375] {strides = array<i32>} : memref<200x128xf32, #tpu.memory_space<vmem>>, vector<1x16xf32>,
      %get3A_377 = vector.shape_cast %get3A_376 : vector<1x16xf32> to vector<16xf32>
      %add3A_378 = arith.addf %add3A_306, %get3A_377 : vector<16xf32>
      %mul3A_379 = arith.constant 4 : i32
      %mul3A_380 = arith.muli %mul3A_379, %scan3A_119 : i32
      %add3A_381 = arith.constant 3 : i32
      %add3A_382 = arith.addi %mul3A_380, %add3A_381 : i32
      %get3A_383 = arith.index_cast %add3A_382 : i32 to index
      %get3A_384 = arith.constant 64 : index
      %get3A_385 = tpu.vector_load %arg9[%get3A_383, %get3A_384] {strides = array<i32>} : memref<200x128xf32, #tpu.memory_space<vmem>>, vector<1x16xf32>,
      %get3A_386 = vector.shape_cast %get3A_385 : vector<1x16xf32> to vector<16xf32>
      %add3A_387 = arith.addf %add3A_315, %get3A_386 : vector<16xf32>
      %mul3A_388 = arith.constant 4 : i32
      %mul3A_389 = arith.muli %mul3A_388, %scan3A_119 : i32
      %add3A_390 = arith.constant 3 : i32
      %add3A_391 = arith.addi %mul3A_389, %add3A_390 : i32
      %get3A_392 = arith.index_cast %add3A_391 : i32 to index
      %get3A_393 = arith.constant 80 : index
      %get3A_394 = tpu.vector_load %arg9[%get3A_392, %get3A_393] {strides = array<i32>} : memref<200x128xf32, #tpu.memory_space<vmem>>, vector<1x16xf32>,
      %get3A_395 = vector.shape_cast %get3A_394 : vector<1x16xf32> to vector<16xf32>
      %add3A_396 = arith.addf %add3A_324, %get3A_395 : vector<16xf32>
      %mul3A_397 = arith.constant 4 : i32
      %mul3A_398 = arith.muli %mul3A_397, %scan3A_119 : i32
      %add3A_399 = arith.constant 3 : i32
      %add3A_400 = arith.addi %mul3A_398, %add3A_399 : i32
      %get3A_401 = arith.index_cast %add3A_400 : i32 to index
      %get3A_402 = arith.constant 96 : index
      %get3A_403 = tpu.vector_load %arg9[%get3A_401, %get3A_402] {strides = array<i32>} : memref<200x128xf32, #tpu.memory_space<vmem>>, vector<1x16xf32>,
      %get3A_404 = vector.shape_cast %get3A_403 : vector<1x16xf32> to vector<16xf32>
      %add3A_405 = arith.addf %add3A_333, %get3A_404 : vector<16xf32>
      %mul3A_406 = arith.constant 4 : i32
      %mul3A_407 = arith.muli %mul3A_406, %scan3A_119 : i32
      %add3A_408 = arith.constant 3 : i32
      %add3A_409 = arith.addi %mul3A_407, %add3A_408 : i32
      %get3A_410 = arith.index_cast %add3A_409 : i32 to index
      %get3A_411 = arith.constant 112 : index
      %get3A_412 = tpu.vector_load %arg9[%get3A_410, %get3A_411] {strides = array<i32>} : memref<200x128xf32, #tpu.memory_space<vmem>>, vector<1x16xf32>,
      %get3A_413 = vector.shape_cast %get3A_412 : vector<1x16xf32> to vector<16xf32>
      %add3A_414 = arith.addf %add3A_342, %get3A_413 : vector<16xf32>
      scf.yield %add3A_351, %add3A_360, %add3A_369, %add3A_378, %add3A_387, %add3A_396, %add3A_405, %add3A_414 : vector<16xf32>, vector<16xf32>, vector<16xf32>, vector<16xf32>, vector<16xf32>, vector<16xf32>, vector<16xf32>, vector<16xf32>
    }
    %scan3A_58 = arith.constant 50 : i32
    %add3A_59 = arith.constant 600 : i32
    %add3A_60 = arith.addi %add3A_9, %add3A_59 : i32
    %dma_start3A_61 = arith.constant 0 : i32
    %dma_start3A_62 = tpu.memref_slice %arg2[%add3A_60, %dma_start3A_61] : memref<100000x128xf32, #tpu.memory_space<hbm>> -> memref<200x128xf32, #tpu.memory_space<hbm>>
    %dma_start3A_63 = arith.constant 0 : i32
    %dma_start3A_64 = tpu.memref_slice %arg2[%add3A_60, %dma_start3A_63] : memref<100000x128xf32, #tpu.memory_space<hbm>> -> memref<200x128xf32, #tpu.memory_space<hbm>>
    tpu.enqueue_dma source(%dma_start3A_64 : memref<200x128xf32, #tpu.memory_space<hbm>>) target(%arg9 : memref<200x128xf32, #tpu.memory_space<vmem>>) target_semaphore(%arg13 : memref<!tpu.dma_semaphore, #tpu.memory_space<semaphore_mem>>)
    %dma_wait3A_65 = arith.constant 0 : i32
    %dma_wait3A_66 = tpu.memref_slice %arg2[%add3A_44, %dma_wait3A_65] : memref<100000x128xf32, #tpu.memory_space<hbm>> -> memref<200x128xf32, #tpu.memory_space<hbm>>
    %dma_wait3A_67 = arith.constant 0 : i32
    %dma_wait3A_68 = tpu.memref_slice %arg2[%add3A_44, %dma_wait3A_67] : memref<100000x128xf32, #tpu.memory_space<hbm>> -> memref<200x128xf32, #tpu.memory_space<hbm>>
    tpu.wait_dma2 semaphore(%arg12 : memref<!tpu.dma_semaphore, #tpu.memory_space<semaphore_mem>>) src(%dma_wait3A_68 : memref<200x128xf32, #tpu.memory_space<hbm>>) dst(%arg8 : memref<200x128xf32, #tpu.memory_space<vmem>>)
    %scan3A_69 = arith.constant 0 : i32
    %scan3A_70 = arith.constant 50 : i32
    %scan3A_71 = arith.addi %scan3A_69, %scan3A_70 : i32
    %scan3A_72 = arith.constant 1 : i32
    %scan3A_73:8 = scf.for %scan3A_119 = %scan3A_69 to %scan3A_71 step %scan3A_72 iter_args(%scan3A_120 = %scan3A_57#0, %scan3A_121 = %scan3A_57#1, %scan3A_122 = %scan3A_57#2, %scan3A_123 = %scan3A_57#3, %scan3A_124 = %scan3A_57#4, %scan3A_125 = %scan3A_57#5, %scan3A_126 = %scan3A_57#6, %scan3A_127 = %scan3A_57#7) -> (vector<16xf32>, vector<16xf32>, vector<16xf32>, vector<16xf32>, vector<16xf32>, vector<16xf32>, vector<16xf32>, vector<16xf32>)  : i32 {
      %mul3A_128 = arith.constant 4 : i32
      %mul3A_129 = arith.muli %mul3A_128, %scan3A_119 : i32
      %add3A_130 = arith.constant 0 : i32
      %add3A_131 = arith.addi %mul3A_129, %add3A_130 : i32
      %get3A = arith.index_cast %add3A_131 : i32 to index
      %get3A_132 = arith.constant 0 : index
      %get3A_133 = tpu.vector_load %arg8[%get3A, %get3A_132] {strides = array<i32>} : memref<200x128xf32, #tpu.memory_space<vmem>>, vector<1x16xf32>,
      %get3A_134 = vector.shape_cast %get3A_133 : vector<1x16xf32> to vector<16xf32>
      %add3A_135 = arith.addf %scan3A_120, %get3A_134 : vector<16xf32>
      %mul3A_136 = arith.constant 4 : i32
      %mul3A_137 = arith.muli %mul3A_136, %scan3A_119 : i32
      %add3A_138 = arith.constant 0 : i32
      %add3A_139 = arith.addi %mul3A_137, %add3A_138 : i32
      %get3A_140 = arith.index_cast %add3A_139 : i32 to index
      %get3A_141 = arith.constant 16 : index
      %get3A_142 = tpu.vector_load %arg8[%get3A_140, %get3A_141] {strides = array<i32>} : memref<200x128xf32, #tpu.memory_space<vmem>>, vector<1x16xf32>,
      %get3A_143 = vector.shape_cast %get3A_142 : vector<1x16xf32> to vector<16xf32>
      %add3A_144 = arith.addf %scan3A_121, %get3A_143 : vector<16xf32>
      %mul3A_145 = arith.constant 4 : i32
      %mul3A_146 = arith.muli %mul3A_145, %scan3A_119 : i32
      %add3A_147 = arith.constant 0 : i32
      %add3A_148 = arith.addi %mul3A_146, %add3A_147 : i32
      %get3A_149 = arith.index_cast %add3A_148 : i32 to index
      %get3A_150 = arith.constant 32 : index
      %get3A_151 = tpu.vector_load %arg8[%get3A_149, %get3A_150] {strides = array<i32>} : memref<200x128xf32, #tpu.memory_space<vmem>>, vector<1x16xf32>,
      %get3A_152 = vector.shape_cast %get3A_151 : vector<1x16xf32> to vector<16xf32>
      %add3A_153 = arith.addf %scan3A_122, %get3A_152 : vector<16xf32>
      %mul3A_154 = arith.constant 4 : i32
      %mul3A_155 = arith.muli %mul3A_154, %scan3A_119 : i32
      %add3A_156 = arith.constant 0 : i32
      %add3A_157 = arith.addi %mul3A_155, %add3A_156 : i32
      %get3A_158 = arith.index_cast %add3A_157 : i32 to index
      %get3A_159 = arith.constant 48 : index
      %get3A_160 = tpu.vector_load %arg8[%get3A_158, %get3A_159] {strides = array<i32>} : memref<200x128xf32, #tpu.memory_space<vmem>>, vector<1x16xf32>,
      %get3A_161 = vector.shape_cast %get3A_160 : vector<1x16xf32> to vector<16xf32>
      %add3A_162 = arith.addf %scan3A_123, %get3A_161 : vector<16xf32>
      %mul3A_163 = arith.constant 4 : i32
      %mul3A_164 = arith.muli %mul3A_163, %scan3A_119 : i32
      %add3A_165 = arith.constant 0 : i32
      %add3A_166 = arith.addi %mul3A_164, %add3A_165 : i32
      %get3A_167 = arith.index_cast %add3A_166 : i32 to index
      %get3A_168 = arith.constant 64 : index
      %get3A_169 = tpu.vector_load %arg8[%get3A_167, %get3A_168] {strides = array<i32>} : memref<200x128xf32, #tpu.memory_space<vmem>>, vector<1x16xf32>,
      %get3A_170 = vector.shape_cast %get3A_169 : vector<1x16xf32> to vector<16xf32>
      %add3A_171 = arith.addf %scan3A_124, %get3A_170 : vector<16xf32>
      %mul3A_172 = arith.constant 4 : i32
      %mul3A_173 = arith.muli %mul3A_172, %scan3A_119 : i32
      %add3A_174 = arith.constant 0 : i32
      %add3A_175 = arith.addi %mul3A_173, %add3A_174 : i32
      %get3A_176 = arith.index_cast %add3A_175 : i32 to index
      %get3A_177 = arith.constant 80 : index
      %get3A_178 = tpu.vector_load %arg8[%get3A_176, %get3A_177] {strides = array<i32>} : memref<200x128xf32, #tpu.memory_space<vmem>>, vector<1x16xf32>,
      %get3A_179 = vector.shape_cast %get3A_178 : vector<1x16xf32> to vector<16xf32>
      %add3A_180 = arith.addf %scan3A_125, %get3A_179 : vector<16xf32>
      %mul3A_181 = arith.constant 4 : i32
      %mul3A_182 = arith.muli %mul3A_181, %scan3A_119 : i32
      %add3A_183 = arith.constant 0 : i32
      %add3A_184 = arith.addi %mul3A_182, %add3A_183 : i32
      %get3A_185 = arith.index_cast %add3A_184 : i32 to index
      %get3A_186 = arith.constant 96 : index
      %get3A_187 = tpu.vector_load %arg8[%get3A_185, %get3A_186] {strides = array<i32>} : memref<200x128xf32, #tpu.memory_space<vmem>>, vector<1x16xf32>,
      %get3A_188 = vector.shape_cast %get3A_187 : vector<1x16xf32> to vector<16xf32>
      %add3A_189 = arith.addf %scan3A_126, %get3A_188 : vector<16xf32>
      %mul3A_190 = arith.constant 4 : i32
      %mul3A_191 = arith.muli %mul3A_190, %scan3A_119 : i32
      %add3A_192 = arith.constant 0 : i32
      %add3A_193 = arith.addi %mul3A_191, %add3A_192 : i32
      %get3A_194 = arith.index_cast %add3A_193 : i32 to index
      %get3A_195 = arith.constant 112 : index
      %get3A_196 = tpu.vector_load %arg8[%get3A_194, %get3A_195] {strides = array<i32>} : memref<200x128xf32, #tpu.memory_space<vmem>>, vector<1x16xf32>,
      %get3A_197 = vector.shape_cast %get3A_196 : vector<1x16xf32> to vector<16xf32>
      %add3A_198 = arith.addf %scan3A_127, %get3A_197 : vector<16xf32>
      %mul3A_199 = arith.constant 4 : i32
      %mul3A_200 = arith.muli %mul3A_199, %scan3A_119 : i32
      %add3A_201 = arith.constant 1 : i32
      %add3A_202 = arith.addi %mul3A_200, %add3A_201 : i32
      %get3A_203 = arith.index_cast %add3A_202 : i32 to index
      %get3A_204 = arith.constant 0 : index
      %get3A_205 = tpu.vector_load %arg8[%get3A_203, %get3A_204] {strides = array<i32>} : memref<200x128xf32, #tpu.memory_space<vmem>>, vector<1x16xf32>,
      %get3A_206 = vector.shape_cast %get3A_205 : vector<1x16xf32> to vector<16xf32>
      %add3A_207 = arith.addf %add3A_135, %get3A_206 : vector<16xf32>
      %mul3A_208 = arith.constant 4 : i32
      %mul3A_209 = arith.muli %mul3A_208, %scan3A_119 : i32
      %add3A_210 = arith.constant 1 : i32
      %add3A_211 = arith.addi %mul3A_209, %add3A_210 : i32
      %get3A_212 = arith.index_cast %add3A_211 : i32 to index
      %get3A_213 = arith.constant 16 : index
      %get3A_214 = tpu.vector_load %arg8[%get3A_212, %get3A_213] {strides = array<i32>} : memref<200x128xf32, #tpu.memory_space<vmem>>, vector<1x16xf32>,
      %get3A_215 = vector.shape_cast %get3A_214 : vector<1x16xf32> to vector<16xf32>
      %add3A_216 = arith.addf %add3A_144, %get3A_215 : vector<16xf32>
      %mul3A_217 = arith.constant 4 : i32
      %mul3A_218 = arith.muli %mul3A_217, %scan3A_119 : i32
      %add3A_219 = arith.constant 1 : i32
      %add3A_220 = arith.addi %mul3A_218, %add3A_219 : i32
      %get3A_221 = arith.index_cast %add3A_220 : i32 to index
      %get3A_222 = arith.constant 32 : index
      %get3A_223 = tpu.vector_load %arg8[%get3A_221, %get3A_222] {strides = array<i32>} : memref<200x128xf32, #tpu.memory_space<vmem>>, vector<1x16xf32>,
      %get3A_224 = vector.shape_cast %get3A_223 : vector<1x16xf32> to vector<16xf32>
      %add3A_225 = arith.addf %add3A_153, %get3A_224 : vector<16xf32>
      %mul3A_226 = arith.constant 4 : i32
      %mul3A_227 = arith.muli %mul3A_226, %scan3A_119 : i32
      %add3A_228 = arith.constant 1 : i32
      %add3A_229 = arith.addi %mul3A_227, %add3A_228 : i32
      %get3A_230 = arith.index_cast %add3A_229 : i32 to index
      %get3A_231 = arith.constant 48 : index
      %get3A_232 = tpu.vector_load %arg8[%get3A_230, %get3A_231] {strides = array<i32>} : memref<200x128xf32, #tpu.memory_space<vmem>>, vector<1x16xf32>,
      %get3A_233 = vector.shape_cast %get3A_232 : vector<1x16xf32> to vector<16xf32>
      %add3A_234 = arith.addf %add3A_162, %get3A_233 : vector<16xf32>
      %mul3A_235 = arith.constant 4 : i32
      %mul3A_236 = arith.muli %mul3A_235, %scan3A_119 : i32
      %add3A_237 = arith.constant 1 : i32
      %add3A_238 = arith.addi %mul3A_236, %add3A_237 : i32
      %get3A_239 = arith.index_cast %add3A_238 : i32 to index
      %get3A_240 = arith.constant 64 : index
      %get3A_241 = tpu.vector_load %arg8[%get3A_239, %get3A_240] {strides = array<i32>} : memref<200x128xf32, #tpu.memory_space<vmem>>, vector<1x16xf32>,
      %get3A_242 = vector.shape_cast %get3A_241 : vector<1x16xf32> to vector<16xf32>
      %add3A_243 = arith.addf %add3A_171, %get3A_242 : vector<16xf32>
      %mul3A_244 = arith.constant 4 : i32
      %mul3A_245 = arith.muli %mul3A_244, %scan3A_119 : i32
      %add3A_246 = arith.constant 1 : i32
      %add3A_247 = arith.addi %mul3A_245, %add3A_246 : i32
      %get3A_248 = arith.index_cast %add3A_247 : i32 to index
      %get3A_249 = arith.constant 80 : index
      %get3A_250 = tpu.vector_load %arg8[%get3A_248, %get3A_249] {strides = array<i32>} : memref<200x128xf32, #tpu.memory_space<vmem>>, vector<1x16xf32>,
      %get3A_251 = vector.shape_cast %get3A_250 : vector<1x16xf32> to vector<16xf32>
      %add3A_252 = arith.addf %add3A_180, %get3A_251 : vector<16xf32>
      %mul3A_253 = arith.constant 4 : i32
      %mul3A_254 = arith.muli %mul3A_253, %scan3A_119 : i32
      %add3A_255 = arith.constant 1 : i32
      %add3A_256 = arith.addi %mul3A_254, %add3A_255 : i32
      %get3A_257 = arith.index_cast %add3A_256 : i32 to index
      %get3A_258 = arith.constant 96 : index
      %get3A_259 = tpu.vector_load %arg8[%get3A_257, %get3A_258] {strides = array<i32>} : memref<200x128xf32, #tpu.memory_space<vmem>>, vector<1x16xf32>,
      %get3A_260 = vector.shape_cast %get3A_259 : vector<1x16xf32> to vector<16xf32>
      %add3A_261 = arith.addf %add3A_189, %get3A_260 : vector<16xf32>
      %mul3A_262 = arith.constant 4 : i32
      %mul3A_263 = arith.muli %mul3A_262, %scan3A_119 : i32
      %add3A_264 = arith.constant 1 : i32
      %add3A_265 = arith.addi %mul3A_263, %add3A_264 : i32
      %get3A_266 = arith.index_cast %add3A_265 : i32 to index
      %get3A_267 = arith.constant 112 : index
      %get3A_268 = tpu.vector_load %arg8[%get3A_266, %get3A_267] {strides = array<i32>} : memref<200x128xf32, #tpu.memory_space<vmem>>, vector<1x16xf32>,
      %get3A_269 = vector.shape_cast %get3A_268 : vector<1x16xf32> to vector<16xf32>
      %add3A_270 = arith.addf %add3A_198, %get3A_269 : vector<16xf32>
      %mul3A_271 = arith.constant 4 : i32
      %mul3A_272 = arith.muli %mul3A_271, %scan3A_119 : i32
      %add3A_273 = arith.constant 2 : i32
      %add3A_274 = arith.addi %mul3A_272, %add3A_273 : i32
      %get3A_275 = arith.index_cast %add3A_274 : i32 to index
      %get3A_276 = arith.constant 0 : index
      %get3A_277 = tpu.vector_load %arg8[%get3A_275, %get3A_276] {strides = array<i32>} : memref<200x128xf32, #tpu.memory_space<vmem>>, vector<1x16xf32>,
      %get3A_278 = vector.shape_cast %get3A_277 : vector<1x16xf32> to vector<16xf32>
      %add3A_279 = arith.addf %add3A_207, %get3A_278 : vector<16xf32>
      %mul3A_280 = arith.constant 4 : i32
      %mul3A_281 = arith.muli %mul3A_280, %scan3A_119 : i32
      %add3A_282 = arith.constant 2 : i32
      %add3A_283 = arith.addi %mul3A_281, %add3A_282 : i32
      %get3A_284 = arith.index_cast %add3A_283 : i32 to index
      %get3A_285 = arith.constant 16 : index
      %get3A_286 = tpu.vector_load %arg8[%get3A_284, %get3A_285] {strides = array<i32>} : memref<200x128xf32, #tpu.memory_space<vmem>>, vector<1x16xf32>,
      %get3A_287 = vector.shape_cast %get3A_286 : vector<1x16xf32> to vector<16xf32>
      %add3A_288 = arith.addf %add3A_216, %get3A_287 : vector<16xf32>
      %mul3A_289 = arith.constant 4 : i32
      %mul3A_290 = arith.muli %mul3A_289, %scan3A_119 : i32
      %add3A_291 = arith.constant 2 : i32
      %add3A_292 = arith.addi %mul3A_290, %add3A_291 : i32
      %get3A_293 = arith.index_cast %add3A_292 : i32 to index
      %get3A_294 = arith.constant 32 : index
      %get3A_295 = tpu.vector_load %arg8[%get3A_293, %get3A_294] {strides = array<i32>} : memref<200x128xf32, #tpu.memory_space<vmem>>, vector<1x16xf32>,
      %get3A_296 = vector.shape_cast %get3A_295 : vector<1x16xf32> to vector<16xf32>
      %add3A_297 = arith.addf %add3A_225, %get3A_296 : vector<16xf32>
      %mul3A_298 = arith.constant 4 : i32
      %mul3A_299 = arith.muli %mul3A_298, %scan3A_119 : i32
      %add3A_300 = arith.constant 2 : i32
      %add3A_301 = arith.addi %mul3A_299, %add3A_300 : i32
      %get3A_302 = arith.index_cast %add3A_301 : i32 to index
      %get3A_303 = arith.constant 48 : index
      %get3A_304 = tpu.vector_load %arg8[%get3A_302, %get3A_303] {strides = array<i32>} : memref<200x128xf32, #tpu.memory_space<vmem>>, vector<1x16xf32>,
      %get3A_305 = vector.shape_cast %get3A_304 : vector<1x16xf32> to vector<16xf32>
      %add3A_306 = arith.addf %add3A_234, %get3A_305 : vector<16xf32>
      %mul3A_307 = arith.constant 4 : i32
      %mul3A_308 = arith.muli %mul3A_307, %scan3A_119 : i32
      %add3A_309 = arith.constant 2 : i32
      %add3A_310 = arith.addi %mul3A_308, %add3A_309 : i32
      %get3A_311 = arith.index_cast %add3A_310 : i32 to index
      %get3A_312 = arith.constant 64 : index
      %get3A_313 = tpu.vector_load %arg8[%get3A_311, %get3A_312] {strides = array<i32>} : memref<200x128xf32, #tpu.memory_space<vmem>>, vector<1x16xf32>,
      %get3A_314 = vector.shape_cast %get3A_313 : vector<1x16xf32> to vector<16xf32>
      %add3A_315 = arith.addf %add3A_243, %get3A_314 : vector<16xf32>
      %mul3A_316 = arith.constant 4 : i32
      %mul3A_317 = arith.muli %mul3A_316, %scan3A_119 : i32
      %add3A_318 = arith.constant 2 : i32
      %add3A_319 = arith.addi %mul3A_317, %add3A_318 : i32
      %get3A_320 = arith.index_cast %add3A_319 : i32 to index
      %get3A_321 = arith.constant 80 : index
      %get3A_322 = tpu.vector_load %arg8[%get3A_320, %get3A_321] {strides = array<i32>} : memref<200x128xf32, #tpu.memory_space<vmem>>, vector<1x16xf32>,
      %get3A_323 = vector.shape_cast %get3A_322 : vector<1x16xf32> to vector<16xf32>
      %add3A_324 = arith.addf %add3A_252, %get3A_323 : vector<16xf32>
      %mul3A_325 = arith.constant 4 : i32
      %mul3A_326 = arith.muli %mul3A_325, %scan3A_119 : i32
      %add3A_327 = arith.constant 2 : i32
      %add3A_328 = arith.addi %mul3A_326, %add3A_327 : i32
      %get3A_329 = arith.index_cast %add3A_328 : i32 to index
      %get3A_330 = arith.constant 96 : index
      %get3A_331 = tpu.vector_load %arg8[%get3A_329, %get3A_330] {strides = array<i32>} : memref<200x128xf32, #tpu.memory_space<vmem>>, vector<1x16xf32>,
      %get3A_332 = vector.shape_cast %get3A_331 : vector<1x16xf32> to vector<16xf32>
      %add3A_333 = arith.addf %add3A_261, %get3A_332 : vector<16xf32>
      %mul3A_334 = arith.constant 4 : i32
      %mul3A_335 = arith.muli %mul3A_334, %scan3A_119 : i32
      %add3A_336 = arith.constant 2 : i32
      %add3A_337 = arith.addi %mul3A_335, %add3A_336 : i32
      %get3A_338 = arith.index_cast %add3A_337 : i32 to index
      %get3A_339 = arith.constant 112 : index
      %get3A_340 = tpu.vector_load %arg8[%get3A_338, %get3A_339] {strides = array<i32>} : memref<200x128xf32, #tpu.memory_space<vmem>>, vector<1x16xf32>,
      %get3A_341 = vector.shape_cast %get3A_340 : vector<1x16xf32> to vector<16xf32>
      %add3A_342 = arith.addf %add3A_270, %get3A_341 : vector<16xf32>
      %mul3A_343 = arith.constant 4 : i32
      %mul3A_344 = arith.muli %mul3A_343, %scan3A_119 : i32
      %add3A_345 = arith.constant 3 : i32
      %add3A_346 = arith.addi %mul3A_344, %add3A_345 : i32
      %get3A_347 = arith.index_cast %add3A_346 : i32 to index
      %get3A_348 = arith.constant 0 : index
      %get3A_349 = tpu.vector_load %arg8[%get3A_347, %get3A_348] {strides = array<i32>} : memref<200x128xf32, #tpu.memory_space<vmem>>, vector<1x16xf32>,
      %get3A_350 = vector.shape_cast %get3A_349 : vector<1x16xf32> to vector<16xf32>
      %add3A_351 = arith.addf %add3A_279, %get3A_350 : vector<16xf32>
      %mul3A_352 = arith.constant 4 : i32
      %mul3A_353 = arith.muli %mul3A_352, %scan3A_119 : i32
      %add3A_354 = arith.constant 3 : i32
      %add3A_355 = arith.addi %mul3A_353, %add3A_354 : i32
      %get3A_356 = arith.index_cast %add3A_355 : i32 to index
      %get3A_357 = arith.constant 16 : index
      %get3A_358 = tpu.vector_load %arg8[%get3A_356, %get3A_357] {strides = array<i32>} : memref<200x128xf32, #tpu.memory_space<vmem>>, vector<1x16xf32>,
      %get3A_359 = vector.shape_cast %get3A_358 : vector<1x16xf32> to vector<16xf32>
      %add3A_360 = arith.addf %add3A_288, %get3A_359 : vector<16xf32>
      %mul3A_361 = arith.constant 4 : i32
      %mul3A_362 = arith.muli %mul3A_361, %scan3A_119 : i32
      %add3A_363 = arith.constant 3 : i32
      %add3A_364 = arith.addi %mul3A_362, %add3A_363 : i32
      %get3A_365 = arith.index_cast %add3A_364 : i32 to index
      %get3A_366 = arith.constant 32 : index
      %get3A_367 = tpu.vector_load %arg8[%get3A_365, %get3A_366] {strides = array<i32>} : memref<200x128xf32, #tpu.memory_space<vmem>>, vector<1x16xf32>,
      %get3A_368 = vector.shape_cast %get3A_367 : vector<1x16xf32> to vector<16xf32>
      %add3A_369 = arith.addf %add3A_297, %get3A_368 : vector<16xf32>
      %mul3A_370 = arith.constant 4 : i32
      %mul3A_371 = arith.muli %mul3A_370, %scan3A_119 : i32
      %add3A_372 = arith.constant 3 : i32
      %add3A_373 = arith.addi %mul3A_371, %add3A_372 : i32
      %get3A_374 = arith.index_cast %add3A_373 : i32 to index
      %get3A_375 = arith.constant 48 : index
      %get3A_376 = tpu.vector_load %arg8[%get3A_374, %get3A_375] {strides = array<i32>} : memref<200x128xf32, #tpu.memory_space<vmem>>, vector<1x16xf32>,
      %get3A_377 = vector.shape_cast %get3A_376 : vector<1x16xf32> to vector<16xf32>
      %add3A_378 = arith.addf %add3A_306, %get3A_377 : vector<16xf32>
      %mul3A_379 = arith.constant 4 : i32
      %mul3A_380 = arith.muli %mul3A_379, %scan3A_119 : i32
      %add3A_381 = arith.constant 3 : i32
      %add3A_382 = arith.addi %mul3A_380, %add3A_381 : i32
      %get3A_383 = arith.index_cast %add3A_382 : i32 to index
      %get3A_384 = arith.constant 64 : index
      %get3A_385 = tpu.vector_load %arg8[%get3A_383, %get3A_384] {strides = array<i32>} : memref<200x128xf32, #tpu.memory_space<vmem>>, vector<1x16xf32>,
      %get3A_386 = vector.shape_cast %get3A_385 : vector<1x16xf32> to vector<16xf32>
      %add3A_387 = arith.addf %add3A_315, %get3A_386 : vector<16xf32>
      %mul3A_388 = arith.constant 4 : i32
      %mul3A_389 = arith.muli %mul3A_388, %scan3A_119 : i32
      %add3A_390 = arith.constant 3 : i32
      %add3A_391 = arith.addi %mul3A_389, %add3A_390 : i32
      %get3A_392 = arith.index_cast %add3A_391 : i32 to index
      %get3A_393 = arith.constant 80 : index
      %get3A_394 = tpu.vector_load %arg8[%get3A_392, %get3A_393] {strides = array<i32>} : memref<200x128xf32, #tpu.memory_space<vmem>>, vector<1x16xf32>,
      %get3A_395 = vector.shape_cast %get3A_394 : vector<1x16xf32> to vector<16xf32>
      %add3A_396 = arith.addf %add3A_324, %get3A_395 : vector<16xf32>
      %mul3A_397 = arith.constant 4 : i32
      %mul3A_398 = arith.muli %mul3A_397, %scan3A_119 : i32
      %add3A_399 = arith.constant 3 : i32
      %add3A_400 = arith.addi %mul3A_398, %add3A_399 : i32
      %get3A_401 = arith.index_cast %add3A_400 : i32 to index
      %get3A_402 = arith.constant 96 : index
      %get3A_403 = tpu.vector_load %arg8[%get3A_401, %get3A_402] {strides = array<i32>} : memref<200x128xf32, #tpu.memory_space<vmem>>, vector<1x16xf32>,
      %get3A_404 = vector.shape_cast %get3A_403 : vector<1x16xf32> to vector<16xf32>
      %add3A_405 = arith.addf %add3A_333, %get3A_404 : vector<16xf32>
      %mul3A_406 = arith.constant 4 : i32
      %mul3A_407 = arith.muli %mul3A_406, %scan3A_119 : i32
      %add3A_408 = arith.constant 3 : i32
      %add3A_409 = arith.addi %mul3A_407, %add3A_408 : i32
      %get3A_410 = arith.index_cast %add3A_409 : i32 to index
      %get3A_411 = arith.constant 112 : index
      %get3A_412 = tpu.vector_load %arg8[%get3A_410, %get3A_411] {strides = array<i32>} : memref<200x128xf32, #tpu.memory_space<vmem>>, vector<1x16xf32>,
      %get3A_413 = vector.shape_cast %get3A_412 : vector<1x16xf32> to vector<16xf32>
      %add3A_414 = arith.addf %add3A_342, %get3A_413 : vector<16xf32>
      scf.yield %add3A_351, %add3A_360, %add3A_369, %add3A_378, %add3A_387, %add3A_396, %add3A_405, %add3A_414 : vector<16xf32>, vector<16xf32>, vector<16xf32>, vector<16xf32>, vector<16xf32>, vector<16xf32>, vector<16xf32>, vector<16xf32>
    }
    %scan3A_74 = arith.constant 50 : i32
    %dma_wait3A_75 = arith.constant 0 : i32
    %dma_wait3A_76 = tpu.memref_slice %arg2[%add3A_60, %dma_wait3A_75] : memref<100000x128xf32, #tpu.memory_space<hbm>> -> memref<200x128xf32, #tpu.memory_space<hbm>>
    %dma_wait3A_77 = arith.constant 0 : i32
    %dma_wait3A_78 = tpu.memref_slice %arg2[%add3A_60, %dma_wait3A_77] : memref<100000x128xf32, #tpu.memory_space<hbm>> -> memref<200x128xf32, #tpu.memory_space<hbm>>
    tpu.wait_dma2 semaphore(%arg13 : memref<!tpu.dma_semaphore, #tpu.memory_space<semaphore_mem>>) src(%dma_wait3A_78 : memref<200x128xf32, #tpu.memory_space<hbm>>) dst(%arg9 : memref<200x128xf32, #tpu.memory_space<vmem>>)
    %scan3A_79 = arith.constant 0 : i32
    %scan3A_80 = arith.constant 50 : i32
    %scan3A_81 = arith.addi %scan3A_79, %scan3A_80 : i32
    %scan3A_82 = arith.constant 1 : i32
    %scan3A_83:8 = scf.for %scan3A_119 = %scan3A_79 to %scan3A_81 step %scan3A_82 iter_args(%scan3A_120 = %scan3A_73#0, %scan3A_121 = %scan3A_73#1, %scan3A_122 = %scan3A_73#2, %scan3A_123 = %scan3A_73#3, %scan3A_124 = %scan3A_73#4, %scan3A_125 = %scan3A_73#5, %scan3A_126 = %scan3A_73#6, %scan3A_127 = %scan3A_73#7) -> (vector<16xf32>, vector<16xf32>, vector<16xf32>, vector<16xf32>, vector<16xf32>, vector<16xf32>, vector<16xf32>, vector<16xf32>)  : i32 {
      %mul3A_128 = arith.constant 4 : i32
      %mul3A_129 = arith.muli %mul3A_128, %scan3A_119 : i32
      %add3A_130 = arith.constant 0 : i32
      %add3A_131 = arith.addi %mul3A_129, %add3A_130 : i32
      %get3A = arith.index_cast %add3A_131 : i32 to index
      %get3A_132 = arith.constant 0 : index
      %get3A_133 = tpu.vector_load %arg9[%get3A, %get3A_132] {strides = array<i32>} : memref<200x128xf32, #tpu.memory_space<vmem>>, vector<1x16xf32>,
      %get3A_134 = vector.shape_cast %get3A_133 : vector<1x16xf32> to vector<16xf32>
      %add3A_135 = arith.addf %scan3A_120, %get3A_134 : vector<16xf32>
      %mul3A_136 = arith.constant 4 : i32
      %mul3A_137 = arith.muli %mul3A_136, %scan3A_119 : i32
      %add3A_138 = arith.constant 0 : i32
      %add3A_139 = arith.addi %mul3A_137, %add3A_138 : i32
      %get3A_140 = arith.index_cast %add3A_139 : i32 to index
      %get3A_141 = arith.constant 16 : index
      %get3A_142 = tpu.vector_load %arg9[%get3A_140, %get3A_141] {strides = array<i32>} : memref<200x128xf32, #tpu.memory_space<vmem>>, vector<1x16xf32>,
      %get3A_143 = vector.shape_cast %get3A_142 : vector<1x16xf32> to vector<16xf32>
      %add3A_144 = arith.addf %scan3A_121, %get3A_143 : vector<16xf32>
      %mul3A_145 = arith.constant 4 : i32
      %mul3A_146 = arith.muli %mul3A_145, %scan3A_119 : i32
      %add3A_147 = arith.constant 0 : i32
      %add3A_148 = arith.addi %mul3A_146, %add3A_147 : i32
      %get3A_149 = arith.index_cast %add3A_148 : i32 to index
      %get3A_150 = arith.constant 32 : index
      %get3A_151 = tpu.vector_load %arg9[%get3A_149, %get3A_150] {strides = array<i32>} : memref<200x128xf32, #tpu.memory_space<vmem>>, vector<1x16xf32>,
      %get3A_152 = vector.shape_cast %get3A_151 : vector<1x16xf32> to vector<16xf32>
      %add3A_153 = arith.addf %scan3A_122, %get3A_152 : vector<16xf32>
      %mul3A_154 = arith.constant 4 : i32
      %mul3A_155 = arith.muli %mul3A_154, %scan3A_119 : i32
      %add3A_156 = arith.constant 0 : i32
      %add3A_157 = arith.addi %mul3A_155, %add3A_156 : i32
      %get3A_158 = arith.index_cast %add3A_157 : i32 to index
      %get3A_159 = arith.constant 48 : index
      %get3A_160 = tpu.vector_load %arg9[%get3A_158, %get3A_159] {strides = array<i32>} : memref<200x128xf32, #tpu.memory_space<vmem>>, vector<1x16xf32>,
      %get3A_161 = vector.shape_cast %get3A_160 : vector<1x16xf32> to vector<16xf32>
      %add3A_162 = arith.addf %scan3A_123, %get3A_161 : vector<16xf32>
      %mul3A_163 = arith.constant 4 : i32
      %mul3A_164 = arith.muli %mul3A_163, %scan3A_119 : i32
      %add3A_165 = arith.constant 0 : i32
      %add3A_166 = arith.addi %mul3A_164, %add3A_165 : i32
      %get3A_167 = arith.index_cast %add3A_166 : i32 to index
      %get3A_168 = arith.constant 64 : index
      %get3A_169 = tpu.vector_load %arg9[%get3A_167, %get3A_168] {strides = array<i32>} : memref<200x128xf32, #tpu.memory_space<vmem>>, vector<1x16xf32>,
      %get3A_170 = vector.shape_cast %get3A_169 : vector<1x16xf32> to vector<16xf32>
      %add3A_171 = arith.addf %scan3A_124, %get3A_170 : vector<16xf32>
      %mul3A_172 = arith.constant 4 : i32
      %mul3A_173 = arith.muli %mul3A_172, %scan3A_119 : i32
      %add3A_174 = arith.constant 0 : i32
      %add3A_175 = arith.addi %mul3A_173, %add3A_174 : i32
      %get3A_176 = arith.index_cast %add3A_175 : i32 to index
      %get3A_177 = arith.constant 80 : index
      %get3A_178 = tpu.vector_load %arg9[%get3A_176, %get3A_177] {strides = array<i32>} : memref<200x128xf32, #tpu.memory_space<vmem>>, vector<1x16xf32>,
      %get3A_179 = vector.shape_cast %get3A_178 : vector<1x16xf32> to vector<16xf32>
      %add3A_180 = arith.addf %scan3A_125, %get3A_179 : vector<16xf32>
      %mul3A_181 = arith.constant 4 : i32
      %mul3A_182 = arith.muli %mul3A_181, %scan3A_119 : i32
      %add3A_183 = arith.constant 0 : i32
      %add3A_184 = arith.addi %mul3A_182, %add3A_183 : i32
      %get3A_185 = arith.index_cast %add3A_184 : i32 to index
      %get3A_186 = arith.constant 96 : index
      %get3A_187 = tpu.vector_load %arg9[%get3A_185, %get3A_186] {strides = array<i32>} : memref<200x128xf32, #tpu.memory_space<vmem>>, vector<1x16xf32>,
      %get3A_188 = vector.shape_cast %get3A_187 : vector<1x16xf32> to vector<16xf32>
      %add3A_189 = arith.addf %scan3A_126, %get3A_188 : vector<16xf32>
      %mul3A_190 = arith.constant 4 : i32
      %mul3A_191 = arith.muli %mul3A_190, %scan3A_119 : i32
      %add3A_192 = arith.constant 0 : i32
      %add3A_193 = arith.addi %mul3A_191, %add3A_192 : i32
      %get3A_194 = arith.index_cast %add3A_193 : i32 to index
      %get3A_195 = arith.constant 112 : index
      %get3A_196 = tpu.vector_load %arg9[%get3A_194, %get3A_195] {strides = array<i32>} : memref<200x128xf32, #tpu.memory_space<vmem>>, vector<1x16xf32>,
      %get3A_197 = vector.shape_cast %get3A_196 : vector<1x16xf32> to vector<16xf32>
      %add3A_198 = arith.addf %scan3A_127, %get3A_197 : vector<16xf32>
      %mul3A_199 = arith.constant 4 : i32
      %mul3A_200 = arith.muli %mul3A_199, %scan3A_119 : i32
      %add3A_201 = arith.constant 1 : i32
      %add3A_202 = arith.addi %mul3A_200, %add3A_201 : i32
      %get3A_203 = arith.index_cast %add3A_202 : i32 to index
      %get3A_204 = arith.constant 0 : index
      %get3A_205 = tpu.vector_load %arg9[%get3A_203, %get3A_204] {strides = array<i32>} : memref<200x128xf32, #tpu.memory_space<vmem>>, vector<1x16xf32>,
      %get3A_206 = vector.shape_cast %get3A_205 : vector<1x16xf32> to vector<16xf32>
      %add3A_207 = arith.addf %add3A_135, %get3A_206 : vector<16xf32>
      %mul3A_208 = arith.constant 4 : i32
      %mul3A_209 = arith.muli %mul3A_208, %scan3A_119 : i32
      %add3A_210 = arith.constant 1 : i32
      %add3A_211 = arith.addi %mul3A_209, %add3A_210 : i32
      %get3A_212 = arith.index_cast %add3A_211 : i32 to index
      %get3A_213 = arith.constant 16 : index
      %get3A_214 = tpu.vector_load %arg9[%get3A_212, %get3A_213] {strides = array<i32>} : memref<200x128xf32, #tpu.memory_space<vmem>>, vector<1x16xf32>,
      %get3A_215 = vector.shape_cast %get3A_214 : vector<1x16xf32> to vector<16xf32>
      %add3A_216 = arith.addf %add3A_144, %get3A_215 : vector<16xf32>
      %mul3A_217 = arith.constant 4 : i32
      %mul3A_218 = arith.muli %mul3A_217, %scan3A_119 : i32
      %add3A_219 = arith.constant 1 : i32
      %add3A_220 = arith.addi %mul3A_218, %add3A_219 : i32
      %get3A_221 = arith.index_cast %add3A_220 : i32 to index
      %get3A_222 = arith.constant 32 : index
      %get3A_223 = tpu.vector_load %arg9[%get3A_221, %get3A_222] {strides = array<i32>} : memref<200x128xf32, #tpu.memory_space<vmem>>, vector<1x16xf32>,
      %get3A_224 = vector.shape_cast %get3A_223 : vector<1x16xf32> to vector<16xf32>
      %add3A_225 = arith.addf %add3A_153, %get3A_224 : vector<16xf32>
      %mul3A_226 = arith.constant 4 : i32
      %mul3A_227 = arith.muli %mul3A_226, %scan3A_119 : i32
      %add3A_228 = arith.constant 1 : i32
      %add3A_229 = arith.addi %mul3A_227, %add3A_228 : i32
      %get3A_230 = arith.index_cast %add3A_229 : i32 to index
      %get3A_231 = arith.constant 48 : index
      %get3A_232 = tpu.vector_load %arg9[%get3A_230, %get3A_231] {strides = array<i32>} : memref<200x128xf32, #tpu.memory_space<vmem>>, vector<1x16xf32>,
      %get3A_233 = vector.shape_cast %get3A_232 : vector<1x16xf32> to vector<16xf32>
      %add3A_234 = arith.addf %add3A_162, %get3A_233 : vector<16xf32>
      %mul3A_235 = arith.constant 4 : i32
      %mul3A_236 = arith.muli %mul3A_235, %scan3A_119 : i32
      %add3A_237 = arith.constant 1 : i32
      %add3A_238 = arith.addi %mul3A_236, %add3A_237 : i32
      %get3A_239 = arith.index_cast %add3A_238 : i32 to index
      %get3A_240 = arith.constant 64 : index
      %get3A_241 = tpu.vector_load %arg9[%get3A_239, %get3A_240] {strides = array<i32>} : memref<200x128xf32, #tpu.memory_space<vmem>>, vector<1x16xf32>,
      %get3A_242 = vector.shape_cast %get3A_241 : vector<1x16xf32> to vector<16xf32>
      %add3A_243 = arith.addf %add3A_171, %get3A_242 : vector<16xf32>
      %mul3A_244 = arith.constant 4 : i32
      %mul3A_245 = arith.muli %mul3A_244, %scan3A_119 : i32
      %add3A_246 = arith.constant 1 : i32
      %add3A_247 = arith.addi %mul3A_245, %add3A_246 : i32
      %get3A_248 = arith.index_cast %add3A_247 : i32 to index
      %get3A_249 = arith.constant 80 : index
      %get3A_250 = tpu.vector_load %arg9[%get3A_248, %get3A_249] {strides = array<i32>} : memref<200x128xf32, #tpu.memory_space<vmem>>, vector<1x16xf32>,
      %get3A_251 = vector.shape_cast %get3A_250 : vector<1x16xf32> to vector<16xf32>
      %add3A_252 = arith.addf %add3A_180, %get3A_251 : vector<16xf32>
      %mul3A_253 = arith.constant 4 : i32
      %mul3A_254 = arith.muli %mul3A_253, %scan3A_119 : i32
      %add3A_255 = arith.constant 1 : i32
      %add3A_256 = arith.addi %mul3A_254, %add3A_255 : i32
      %get3A_257 = arith.index_cast %add3A_256 : i32 to index
      %get3A_258 = arith.constant 96 : index
      %get3A_259 = tpu.vector_load %arg9[%get3A_257, %get3A_258] {strides = array<i32>} : memref<200x128xf32, #tpu.memory_space<vmem>>, vector<1x16xf32>,
      %get3A_260 = vector.shape_cast %get3A_259 : vector<1x16xf32> to vector<16xf32>
      %add3A_261 = arith.addf %add3A_189, %get3A_260 : vector<16xf32>
      %mul3A_262 = arith.constant 4 : i32
      %mul3A_263 = arith.muli %mul3A_262, %scan3A_119 : i32
      %add3A_264 = arith.constant 1 : i32
      %add3A_265 = arith.addi %mul3A_263, %add3A_264 : i32
      %get3A_266 = arith.index_cast %add3A_265 : i32 to index
      %get3A_267 = arith.constant 112 : index
      %get3A_268 = tpu.vector_load %arg9[%get3A_266, %get3A_267] {strides = array<i32>} : memref<200x128xf32, #tpu.memory_space<vmem>>, vector<1x16xf32>,
      %get3A_269 = vector.shape_cast %get3A_268 : vector<1x16xf32> to vector<16xf32>
      %add3A_270 = arith.addf %add3A_198, %get3A_269 : vector<16xf32>
      %mul3A_271 = arith.constant 4 : i32
      %mul3A_272 = arith.muli %mul3A_271, %scan3A_119 : i32
      %add3A_273 = arith.constant 2 : i32
      %add3A_274 = arith.addi %mul3A_272, %add3A_273 : i32
      %get3A_275 = arith.index_cast %add3A_274 : i32 to index
      %get3A_276 = arith.constant 0 : index
      %get3A_277 = tpu.vector_load %arg9[%get3A_275, %get3A_276] {strides = array<i32>} : memref<200x128xf32, #tpu.memory_space<vmem>>, vector<1x16xf32>,
      %get3A_278 = vector.shape_cast %get3A_277 : vector<1x16xf32> to vector<16xf32>
      %add3A_279 = arith.addf %add3A_207, %get3A_278 : vector<16xf32>
      %mul3A_280 = arith.constant 4 : i32
      %mul3A_281 = arith.muli %mul3A_280, %scan3A_119 : i32
      %add3A_282 = arith.constant 2 : i32
      %add3A_283 = arith.addi %mul3A_281, %add3A_282 : i32
      %get3A_284 = arith.index_cast %add3A_283 : i32 to index
      %get3A_285 = arith.constant 16 : index
      %get3A_286 = tpu.vector_load %arg9[%get3A_284, %get3A_285] {strides = array<i32>} : memref<200x128xf32, #tpu.memory_space<vmem>>, vector<1x16xf32>,
      %get3A_287 = vector.shape_cast %get3A_286 : vector<1x16xf32> to vector<16xf32>
      %add3A_288 = arith.addf %add3A_216, %get3A_287 : vector<16xf32>
      %mul3A_289 = arith.constant 4 : i32
      %mul3A_290 = arith.muli %mul3A_289, %scan3A_119 : i32
      %add3A_291 = arith.constant 2 : i32
      %add3A_292 = arith.addi %mul3A_290, %add3A_291 : i32
      %get3A_293 = arith.index_cast %add3A_292 : i32 to index
      %get3A_294 = arith.constant 32 : index
      %get3A_295 = tpu.vector_load %arg9[%get3A_293, %get3A_294] {strides = array<i32>} : memref<200x128xf32, #tpu.memory_space<vmem>>, vector<1x16xf32>,
      %get3A_296 = vector.shape_cast %get3A_295 : vector<1x16xf32> to vector<16xf32>
      %add3A_297 = arith.addf %add3A_225, %get3A_296 : vector<16xf32>
      %mul3A_298 = arith.constant 4 : i32
      %mul3A_299 = arith.muli %mul3A_298, %scan3A_119 : i32
      %add3A_300 = arith.constant 2 : i32
      %add3A_301 = arith.addi %mul3A_299, %add3A_300 : i32
      %get3A_302 = arith.index_cast %add3A_301 : i32 to index
      %get3A_303 = arith.constant 48 : index
      %get3A_304 = tpu.vector_load %arg9[%get3A_302, %get3A_303] {strides = array<i32>} : memref<200x128xf32, #tpu.memory_space<vmem>>, vector<1x16xf32>,
      %get3A_305 = vector.shape_cast %get3A_304 : vector<1x16xf32> to vector<16xf32>
      %add3A_306 = arith.addf %add3A_234, %get3A_305 : vector<16xf32>
      %mul3A_307 = arith.constant 4 : i32
      %mul3A_308 = arith.muli %mul3A_307, %scan3A_119 : i32
      %add3A_309 = arith.constant 2 : i32
      %add3A_310 = arith.addi %mul3A_308, %add3A_309 : i32
      %get3A_311 = arith.index_cast %add3A_310 : i32 to index
      %get3A_312 = arith.constant 64 : index
      %get3A_313 = tpu.vector_load %arg9[%get3A_311, %get3A_312] {strides = array<i32>} : memref<200x128xf32, #tpu.memory_space<vmem>>, vector<1x16xf32>,
      %get3A_314 = vector.shape_cast %get3A_313 : vector<1x16xf32> to vector<16xf32>
      %add3A_315 = arith.addf %add3A_243, %get3A_314 : vector<16xf32>
      %mul3A_316 = arith.constant 4 : i32
      %mul3A_317 = arith.muli %mul3A_316, %scan3A_119 : i32
      %add3A_318 = arith.constant 2 : i32
      %add3A_319 = arith.addi %mul3A_317, %add3A_318 : i32
      %get3A_320 = arith.index_cast %add3A_319 : i32 to index
      %get3A_321 = arith.constant 80 : index
      %get3A_322 = tpu.vector_load %arg9[%get3A_320, %get3A_321] {strides = array<i32>} : memref<200x128xf32, #tpu.memory_space<vmem>>, vector<1x16xf32>,
      %get3A_323 = vector.shape_cast %get3A_322 : vector<1x16xf32> to vector<16xf32>
      %add3A_324 = arith.addf %add3A_252, %get3A_323 : vector<16xf32>
      %mul3A_325 = arith.constant 4 : i32
      %mul3A_326 = arith.muli %mul3A_325, %scan3A_119 : i32
      %add3A_327 = arith.constant 2 : i32
      %add3A_328 = arith.addi %mul3A_326, %add3A_327 : i32
      %get3A_329 = arith.index_cast %add3A_328 : i32 to index
      %get3A_330 = arith.constant 96 : index
      %get3A_331 = tpu.vector_load %arg9[%get3A_329, %get3A_330] {strides = array<i32>} : memref<200x128xf32, #tpu.memory_space<vmem>>, vector<1x16xf32>,
      %get3A_332 = vector.shape_cast %get3A_331 : vector<1x16xf32> to vector<16xf32>
      %add3A_333 = arith.addf %add3A_261, %get3A_332 : vector<16xf32>
      %mul3A_334 = arith.constant 4 : i32
      %mul3A_335 = arith.muli %mul3A_334, %scan3A_119 : i32
      %add3A_336 = arith.constant 2 : i32
      %add3A_337 = arith.addi %mul3A_335, %add3A_336 : i32
      %get3A_338 = arith.index_cast %add3A_337 : i32 to index
      %get3A_339 = arith.constant 112 : index
      %get3A_340 = tpu.vector_load %arg9[%get3A_338, %get3A_339] {strides = array<i32>} : memref<200x128xf32, #tpu.memory_space<vmem>>, vector<1x16xf32>,
      %get3A_341 = vector.shape_cast %get3A_340 : vector<1x16xf32> to vector<16xf32>
      %add3A_342 = arith.addf %add3A_270, %get3A_341 : vector<16xf32>
      %mul3A_343 = arith.constant 4 : i32
      %mul3A_344 = arith.muli %mul3A_343, %scan3A_119 : i32
      %add3A_345 = arith.constant 3 : i32
      %add3A_346 = arith.addi %mul3A_344, %add3A_345 : i32
      %get3A_347 = arith.index_cast %add3A_346 : i32 to index
      %get3A_348 = arith.constant 0 : index
      %get3A_349 = tpu.vector_load %arg9[%get3A_347, %get3A_348] {strides = array<i32>} : memref<200x128xf32, #tpu.memory_space<vmem>>, vector<1x16xf32>,
      %get3A_350 = vector.shape_cast %get3A_349 : vector<1x16xf32> to vector<16xf32>
      %add3A_351 = arith.addf %add3A_279, %get3A_350 : vector<16xf32>
      %mul3A_352 = arith.constant 4 : i32
      %mul3A_353 = arith.muli %mul3A_352, %scan3A_119 : i32
      %add3A_354 = arith.constant 3 : i32
      %add3A_355 = arith.addi %mul3A_353, %add3A_354 : i32
      %get3A_356 = arith.index_cast %add3A_355 : i32 to index
      %get3A_357 = arith.constant 16 : index
      %get3A_358 = tpu.vector_load %arg9[%get3A_356, %get3A_357] {strides = array<i32>} : memref<200x128xf32, #tpu.memory_space<vmem>>, vector<1x16xf32>,
      %get3A_359 = vector.shape_cast %get3A_358 : vector<1x16xf32> to vector<16xf32>
      %add3A_360 = arith.addf %add3A_288, %get3A_359 : vector<16xf32>
      %mul3A_361 = arith.constant 4 : i32
      %mul3A_362 = arith.muli %mul3A_361, %scan3A_119 : i32
      %add3A_363 = arith.constant 3 : i32
      %add3A_364 = arith.addi %mul3A_362, %add3A_363 : i32
      %get3A_365 = arith.index_cast %add3A_364 : i32 to index
      %get3A_366 = arith.constant 32 : index
      %get3A_367 = tpu.vector_load %arg9[%get3A_365, %get3A_366] {strides = array<i32>} : memref<200x128xf32, #tpu.memory_space<vmem>>, vector<1x16xf32>,
      %get3A_368 = vector.shape_cast %get3A_367 : vector<1x16xf32> to vector<16xf32>
      %add3A_369 = arith.addf %add3A_297, %get3A_368 : vector<16xf32>
      %mul3A_370 = arith.constant 4 : i32
      %mul3A_371 = arith.muli %mul3A_370, %scan3A_119 : i32
      %add3A_372 = arith.constant 3 : i32
      %add3A_373 = arith.addi %mul3A_371, %add3A_372 : i32
      %get3A_374 = arith.index_cast %add3A_373 : i32 to index
      %get3A_375 = arith.constant 48 : index
      %get3A_376 = tpu.vector_load %arg9[%get3A_374, %get3A_375] {strides = array<i32>} : memref<200x128xf32, #tpu.memory_space<vmem>>, vector<1x16xf32>,
      %get3A_377 = vector.shape_cast %get3A_376 : vector<1x16xf32> to vector<16xf32>
      %add3A_378 = arith.addf %add3A_306, %get3A_377 : vector<16xf32>
      %mul3A_379 = arith.constant 4 : i32
      %mul3A_380 = arith.muli %mul3A_379, %scan3A_119 : i32
      %add3A_381 = arith.constant 3 : i32
      %add3A_382 = arith.addi %mul3A_380, %add3A_381 : i32
      %get3A_383 = arith.index_cast %add3A_382 : i32 to index
      %get3A_384 = arith.constant 64 : index
      %get3A_385 = tpu.vector_load %arg9[%get3A_383, %get3A_384] {strides = array<i32>} : memref<200x128xf32, #tpu.memory_space<vmem>>, vector<1x16xf32>,
      %get3A_386 = vector.shape_cast %get3A_385 : vector<1x16xf32> to vector<16xf32>
      %add3A_387 = arith.addf %add3A_315, %get3A_386 : vector<16xf32>
      %mul3A_388 = arith.constant 4 : i32
      %mul3A_389 = arith.muli %mul3A_388, %scan3A_119 : i32
      %add3A_390 = arith.constant 3 : i32
      %add3A_391 = arith.addi %mul3A_389, %add3A_390 : i32
      %get3A_392 = arith.index_cast %add3A_391 : i32 to index
      %get3A_393 = arith.constant 80 : index
      %get3A_394 = tpu.vector_load %arg9[%get3A_392, %get3A_393] {strides = array<i32>} : memref<200x128xf32, #tpu.memory_space<vmem>>, vector<1x16xf32>,
      %get3A_395 = vector.shape_cast %get3A_394 : vector<1x16xf32> to vector<16xf32>
      %add3A_396 = arith.addf %add3A_324, %get3A_395 : vector<16xf32>
      %mul3A_397 = arith.constant 4 : i32
      %mul3A_398 = arith.muli %mul3A_397, %scan3A_119 : i32
      %add3A_399 = arith.constant 3 : i32
      %add3A_400 = arith.addi %mul3A_398, %add3A_399 : i32
      %get3A_401 = arith.index_cast %add3A_400 : i32 to index
      %get3A_402 = arith.constant 96 : index
      %get3A_403 = tpu.vector_load %arg9[%get3A_401, %get3A_402] {strides = array<i32>} : memref<200x128xf32, #tpu.memory_space<vmem>>, vector<1x16xf32>,
      %get3A_404 = vector.shape_cast %get3A_403 : vector<1x16xf32> to vector<16xf32>
      %add3A_405 = arith.addf %add3A_333, %get3A_404 : vector<16xf32>
      %mul3A_406 = arith.constant 4 : i32
      %mul3A_407 = arith.muli %mul3A_406, %scan3A_119 : i32
      %add3A_408 = arith.constant 3 : i32
      %add3A_409 = arith.addi %mul3A_407, %add3A_408 : i32
      %get3A_410 = arith.index_cast %add3A_409 : i32 to index
      %get3A_411 = arith.constant 112 : index
      %get3A_412 = tpu.vector_load %arg9[%get3A_410, %get3A_411] {strides = array<i32>} : memref<200x128xf32, #tpu.memory_space<vmem>>, vector<1x16xf32>,
      %get3A_413 = vector.shape_cast %get3A_412 : vector<1x16xf32> to vector<16xf32>
      %add3A_414 = arith.addf %add3A_342, %get3A_413 : vector<16xf32>
      scf.yield %add3A_351, %add3A_360, %add3A_369, %add3A_378, %add3A_387, %add3A_396, %add3A_405, %add3A_414 : vector<16xf32>, vector<16xf32>, vector<16xf32>, vector<16xf32>, vector<16xf32>, vector<16xf32>, vector<16xf32>, vector<16xf32>
    }
    %scan3A_84 = arith.constant 50 : i32
    %swap3A = arith.constant 0 : index
    %swap3A_85 = tpu.vector_load %arg10[%swap3A] {strides = array<i32>} : memref<128xf32, #tpu.memory_space<vmem>>, vector<16xf32>,
    %swap3A_86 = vector.shape_cast %swap3A_85 : vector<16xf32> to vector<16xf32>
    %swap3A_87 = vector.shape_cast %scan3A_83#0 : vector<16xf32> to vector<16xf32>
    tpu.vector_store %arg10[%swap3A], %swap3A_87 {strides = array<i32>} : memref<128xf32, #tpu.memory_space<vmem>>, vector<16xf32>,
    %swap3A_88 = arith.constant 16 : index
    %swap3A_89 = tpu.vector_load %arg10[%swap3A_88] {strides = array<i32>} : memref<128xf32, #tpu.memory_space<vmem>>, vector<16xf32>,
    %swap3A_90 = vector.shape_cast %swap3A_89 : vector<16xf32> to vector<16xf32>
    %swap3A_91 = vector.shape_cast %scan3A_83#1 : vector<16xf32> to vector<16xf32>
    tpu.vector_store %arg10[%swap3A_88], %swap3A_91 {strides = array<i32>} : memref<128xf32, #tpu.memory_space<vmem>>, vector<16xf32>,
    %swap3A_92 = arith.constant 32 : index
    %swap3A_93 = tpu.vector_load %arg10[%swap3A_92] {strides = array<i32>} : memref<128xf32, #tpu.memory_space<vmem>>, vector<16xf32>,
    %swap3A_94 = vector.shape_cast %swap3A_93 : vector<16xf32> to vector<16xf32>
    %swap3A_95 = vector.shape_cast %scan3A_83#2 : vector<16xf32> to vector<16xf32>
    tpu.vector_store %arg10[%swap3A_92], %swap3A_95 {strides = array<i32>} : memref<128xf32, #tpu.memory_space<vmem>>, vector<16xf32>,
    %swap3A_96 = arith.constant 48 : index
    %swap3A_97 = tpu.vector_load %arg10[%swap3A_96] {strides = array<i32>} : memref<128xf32, #tpu.memory_space<vmem>>, vector<16xf32>,
    %swap3A_98 = vector.shape_cast %swap3A_97 : vector<16xf32> to vector<16xf32>
    %swap3A_99 = vector.shape_cast %scan3A_83#3 : vector<16xf32> to vector<16xf32>
    tpu.vector_store %arg10[%swap3A_96], %swap3A_99 {strides = array<i32>} : memref<128xf32, #tpu.memory_space<vmem>>, vector<16xf32>,
    %swap3A_100 = arith.constant 64 : index
    %swap3A_101 = tpu.vector_load %arg10[%swap3A_100] {strides = array<i32>} : memref<128xf32, #tpu.memory_space<vmem>>, vector<16xf32>,
    %swap3A_102 = vector.shape_cast %swap3A_101 : vector<16xf32> to vector<16xf32>
    %swap3A_103 = vector.shape_cast %scan3A_83#4 : vector<16xf32> to vector<16xf32>
    tpu.vector_store %arg10[%swap3A_100], %swap3A_103 {strides = array<i32>} : memref<128xf32, #tpu.memory_space<vmem>>, vector<16xf32>,
    %swap3A_104 = arith.constant 80 : index
    %swap3A_105 = tpu.vector_load %arg10[%swap3A_104] {strides = array<i32>} : memref<128xf32, #tpu.memory_space<vmem>>, vector<16xf32>,
    %swap3A_106 = vector.shape_cast %swap3A_105 : vector<16xf32> to vector<16xf32>
    %swap3A_107 = vector.shape_cast %scan3A_83#5 : vector<16xf32> to vector<16xf32>
    tpu.vector_store %arg10[%swap3A_104], %swap3A_107 {strides = array<i32>} : memref<128xf32, #tpu.memory_space<vmem>>, vector<16xf32>,
    %swap3A_108 = arith.constant 96 : index
    %swap3A_109 = tpu.vector_load %arg10[%swap3A_108] {strides = array<i32>} : memref<128xf32, #tpu.memory_space<vmem>>, vector<16xf32>,
    %swap3A_110 = vector.shape_cast %swap3A_109 : vector<16xf32> to vector<16xf32>
    %swap3A_111 = vector.shape_cast %scan3A_83#6 : vector<16xf32> to vector<16xf32>
    tpu.vector_store %arg10[%swap3A_108], %swap3A_111 {strides = array<i32>} : memref<128xf32, #tpu.memory_space<vmem>>, vector<16xf32>,
    %swap3A_112 = arith.constant 112 : index
    %swap3A_113 = tpu.vector_load %arg10[%swap3A_112] {strides = array<i32>} : memref<128xf32, #tpu.memory_space<vmem>>, vector<16xf32>,
    %swap3A_114 = vector.shape_cast %swap3A_113 : vector<16xf32> to vector<16xf32>
    %swap3A_115 = vector.shape_cast %scan3A_83#7 : vector<16xf32> to vector<16xf32>
    tpu.vector_store %arg10[%swap3A_112], %swap3A_115 {strides = array<i32>} : memref<128xf32, #tpu.memory_space<vmem>>, vector<16xf32>,
    "tpu.region"() ({
      %run_scoped3A = tpu.sem_alloc : memref<!tpu.dma_semaphore, #tpu.memory_space<semaphore_mem>>
      %dma_start3A_119 = arith.constant 0 : i32
      %dma_start3A_120 = tpu.memref_slice %arg5[%add3A, %dma_start3A_119] : memref<32x128xf32, #tpu.memory_space<hbm>> -> memref<1x128xf32, #tpu.memory_space<hbm>>
      %dma_start3A_121 = tpu.memref_squeeze %dma_start3A_120 : memref<1x128xf32, #tpu.memory_space<hbm>> -> memref<128xf32, #tpu.memory_space<hbm>>
      %dma_start3A_122 = arith.constant 0 : i32
      %dma_start3A_123 = tpu.memref_slice %arg5[%add3A, %dma_start3A_122] : memref<32x128xf32, #tpu.memory_space<hbm>> -> memref<1x128xf32, #tpu.memory_space<hbm>>
      %dma_start3A_124 = tpu.memref_squeeze %dma_start3A_123 : memref<1x128xf32, #tpu.memory_space<hbm>> -> memref<128xf32, #tpu.memory_space<hbm>>
      tpu.enqueue_dma source(%arg10 : memref<128xf32, #tpu.memory_space<vmem>>) target(%dma_start3A_124 : memref<128xf32, #tpu.memory_space<hbm>>) target_semaphore(%run_scoped3A : memref<!tpu.dma_semaphore, #tpu.memory_space<semaphore_mem>>)
      %dma_wait3A_125 = arith.constant 0 : i32
      %dma_wait3A_126 = tpu.memref_slice %arg5[%add3A, %dma_wait3A_125] : memref<32x128xf32, #tpu.memory_space<hbm>> -> memref<1x128xf32, #tpu.memory_space<hbm>>
      %dma_wait3A_127 = tpu.memref_squeeze %dma_wait3A_126 : memref<1x128xf32, #tpu.memory_space<hbm>> -> memref<128xf32, #tpu.memory_space<hbm>>
      %dma_wait3A_128 = arith.constant 0 : i32
      %dma_wait3A_129 = tpu.memref_slice %arg5[%add3A, %dma_wait3A_128] : memref<32x128xf32, #tpu.memory_space<hbm>> -> memref<1x128xf32, #tpu.memory_space<hbm>>
      %dma_wait3A_130 = tpu.memref_squeeze %dma_wait3A_129 : memref<1x128xf32, #tpu.memory_space<hbm>> -> memref<128xf32, #tpu.memory_space<hbm>>
      tpu.wait_dma2 semaphore(%run_scoped3A : memref<!tpu.dma_semaphore, #tpu.memory_space<semaphore_mem>>) src(%arg10 : memref<128xf32, #tpu.memory_space<vmem>>) dst(%dma_wait3A_130 : memref<128xf32, #tpu.memory_space<hbm>>)
      tpu.yield
    }) : () -> ()
    %dma_wait3A_116 = arith.constant 0 : i32
    %dma_wait3A_117 = arith.constant 0 : i32
    %dma_wait3A_118 = tpu.memref_slice %arg2[%dma_wait3A_116, %dma_wait3A_117] : memref<100000x128xf32, #tpu.memory_space<hbm>> -> memref<100000x128xf32, #tpu.memory_space<hbm>>
    tpu.wait_indirect_dma semaphore(%arg11 : memref<!tpu.dma_semaphore, #tpu.memory_space<semaphore_mem>>) src(%dma_wait3A_118 : memref<100000x128xf32, #tpu.memory_space<hbm>>) dst(%arg7 : memref<160x128xf32, #tpu.memory_space<vmem>>)
    "tpu.region"() ({
      %run_scoped3A = tpu.sem_alloc : memref<!tpu.dma_semaphore, #tpu.memory_space<semaphore_mem>>
      %dma_start3A_119 = arith.constant 0 : i32
      %dma_start3A_120 = tpu.memref_slice %arg4[%min3A_3, %dma_start3A_119] : memref<5000x128xf32, #tpu.memory_space<hbm>> -> memref<160x128xf32, #tpu.memory_space<hbm>>
      %dma_start3A_121 = arith.constant 0 : i32
      %dma_start3A_122 = tpu.memref_slice %arg4[%min3A_3, %dma_start3A_121] : memref<5000x128xf32, #tpu.memory_space<hbm>> -> memref<160x128xf32, #tpu.memory_space<hbm>>
      tpu.enqueue_dma source(%arg7 : memref<160x128xf32, #tpu.memory_space<vmem>>) target(%dma_start3A_122 : memref<160x128xf32, #tpu.memory_space<hbm>>) target_semaphore(%run_scoped3A : memref<!tpu.dma_semaphore, #tpu.memory_space<semaphore_mem>>)
      %dma_wait3A_123 = arith.constant 0 : i32
      %dma_wait3A_124 = tpu.memref_slice %arg4[%min3A_3, %dma_wait3A_123] : memref<5000x128xf32, #tpu.memory_space<hbm>> -> memref<160x128xf32, #tpu.memory_space<hbm>>
      %dma_wait3A_125 = arith.constant 0 : i32
      %dma_wait3A_126 = tpu.memref_slice %arg4[%min3A_3, %dma_wait3A_125] : memref<5000x128xf32, #tpu.memory_space<hbm>> -> memref<160x128xf32, #tpu.memory_space<hbm>>
      tpu.wait_dma2 semaphore(%run_scoped3A : memref<!tpu.dma_semaphore, #tpu.memory_space<semaphore_mem>>) src(%arg7 : memref<160x128xf32, #tpu.memory_space<vmem>>) dst(%dma_wait3A_126 : memref<160x128xf32, #tpu.memory_space<hbm>>)
      tpu.yield
    }) : () -> ()
    return
  }
}

module attributes {stable_mosaic.version = 14 : i64} {
  func.func @_sum_body(%arg0: i32, %arg1: memref<24800x128xf32, #tpu.memory_space<vmem>>, %arg2: memref<1x128xf32, #tpu.memory_space<vmem>>) attributes {dimension_semantics = [#tpu.dimension_semantics<arbitrary>], iteration_bounds = array<i64: 3>, scalar_prefetch = 0 : i64, scratch_operands = 0 : i64, tpu.core_type = #tpu.core_type<tc>, window_params = [{transform_indices = @transform_0, window_bounds = array<i64: 24800, 128>}, {pipeline_mode = #tpu.pipeline_mode<synchronous>, transform_indices = @transform_1, window_bounds = array<i64: 1, 128>}]} {
    %eq3A = arith.constant 0 : i32
    %eq3A_0 = arith.cmpi eq, %arg0, %eq3A : i32
    %convert_element_type3A = arith.extui %eq3A_0 : i1 to i32
    %cond3A = arith.constant 0 : i32
    %cond3A_1 = arith.cmpi ne, %convert_element_type3A, %cond3A : i32
    scf.if %cond3A_1 {
      %broadcast_in_dim3A_10 = arith.constant 0.000000e+00 : f32
      %broadcast_in_dim3A_11 = vector.broadcast %broadcast_in_dim3A_10 : f32 to vector<1x128xf32>
      %swap3A_12 = arith.constant 0 : index
      %swap3A_13 = arith.constant 0 : index
      %swap3A_14 = vector.load %arg2[%swap3A_12, %swap3A_13] : memref<1x128xf32, #tpu.memory_space<vmem>>, vector<1x128xf32>
      tpu.vector_store %arg2[%swap3A_12, %swap3A_13], %broadcast_in_dim3A_11 {strides = array<i32>} : memref<1x128xf32, #tpu.memory_space<vmem>>, vector<1x128xf32>,
    } else {
    }
    %get3A = arith.constant 0 : index
    %get3A_2 = arith.constant 0 : index
    %get3A_3 = vector.load %arg2[%get3A, %get3A_2] : memref<1x128xf32, #tpu.memory_space<vmem>>, vector<1x128xf32>
    %get3A_4 = arith.constant 0 : index
    %get3A_5 = arith.constant 0 : index
    %get3A_6 = vector.load %arg1[%get3A_4, %get3A_5] : memref<24800x128xf32, #tpu.memory_space<vmem>>, vector<24800x128xf32>
    %reduce_sum3A = arith.constant dense<0.000000e+00> : vector<128xf32>
    %reduce_sum3A_7 = vector.multi_reduction <add>, %get3A_6, %reduce_sum3A [0] : vector<24800x128xf32> to vector<128xf32>
    %broadcast_in_dim3A = vector.shape_cast %reduce_sum3A_7 : vector<128xf32> to vector<1x128xf32>
    %add3A = arith.addf %get3A_3, %broadcast_in_dim3A : vector<1x128xf32>
    %swap3A = arith.constant 0 : index
    %swap3A_8 = arith.constant 0 : index
    %swap3A_9 = vector.load %arg2[%swap3A, %swap3A_8] : memref<1x128xf32, #tpu.memory_space<vmem>>, vector<1x128xf32>
    tpu.vector_store %arg2[%swap3A, %swap3A_8], %add3A {strides = array<i32>} : memref<1x128xf32, #tpu.memory_space<vmem>>, vector<1x128xf32>,
    return
  }
  func.func @transform_0(%arg0: i32) -> (i32, i32) {
    %c0_i32 = arith.constant 0 : i32
    %c0_i32_0 = arith.constant 0 : i32
    return %arg0, %c0_i32 : i32, i32
  }
  func.func @transform_1(%arg0: i32) -> (i32, i32) {
    %c0_i32 = arith.constant 0 : i32
    %c0_i32_0 = arith.constant 0 : i32
    %c0_i32_1 = arith.constant 0 : i32
    return %c0_i32, %c0_i32_0 : i32, i32
  }
}

module attributes {stable_mosaic.version = 14 : i64} {
  func.func @_mlp_body(%arg0: memref<5000x128xf32, #tpu.memory_space<vmem>>, %arg1: memref<1x128xf32, #tpu.memory_space<vmem>>, %arg2: memref<32x128xf32, #tpu.memory_space<vmem>>, %arg3: memref<256x128xf32, #tpu.memory_space<vmem>>, %arg4: memref<1x128xf32, #tpu.memory_space<vmem>>, %arg5: memref<1x128xf32, #tpu.memory_space<vmem>>, %arg6: memref<5000xf32, #tpu.memory_space<vmem>>) attributes {dimension_semantics = [], scalar_prefetch = 0 : i64, scratch_operands = 0 : i64, tpu.core_type = #tpu.core_type<tc>} {
    %get3A = arith.constant 0 : index
    %get3A_0 = arith.constant 0 : index
    %get3A_1 = vector.load %arg1[%get3A, %get3A_0] : memref<1x128xf32, #tpu.memory_space<vmem>>, vector<1x128xf32>
    %get3A_2 = arith.constant 0 : index
    %get3A_3 = arith.constant 0 : index
    %get3A_4 = vector.load %arg2[%get3A_2, %get3A_3] : memref<32x128xf32, #tpu.memory_space<vmem>>, vector<32x128xf32>
    %reduce_sum3A = arith.constant dense<0.000000e+00> : vector<128xf32>
    %reduce_sum3A_5 = vector.multi_reduction <add>, %get3A_4, %reduce_sum3A [0] : vector<32x128xf32> to vector<128xf32>
    %broadcast_in_dim3A = vector.shape_cast %reduce_sum3A_5 : vector<128xf32> to vector<1x128xf32>
    %add3A = arith.addf %get3A_1, %broadcast_in_dim3A : vector<1x128xf32>
    %mul3A = arith.constant 9.99999974E-6 : f32
    %mul3A_6 = vector.broadcast %mul3A : f32 to vector<1x128xf32>
    %mul3A_7 = arith.mulf %add3A, %mul3A_6 : vector<1x128xf32>
    %get3A_8 = arith.constant 0 : index
    %get3A_9 = arith.constant 0 : index
    %get3A_10 = vector.load %arg3[%get3A_8, %get3A_9] : memref<256x128xf32, #tpu.memory_space<vmem>>, vector<256x128xf32>
    %slice3A = vector.extract_strided_slice %get3A_10 {offsets = [128, 0], sizes = [128, 128], strides = [1, 1]} : vector<256x128xf32> to vector<128x128xf32>
    %dot_general3A = arith.constant dense<0.000000e+00> : vector<1x128xf32>
    %dot_general3A_11 = tpu.matmul %mul3A_7, %slice3A, %dot_general3A {dimension_numbers = #tpu.dot_dimension_numbers<[1], [0], [0], [1], [0, 0, 1, 1], [], []>, transpose_lhs_hint = false} : vector<1x128xf32>, vector<128x128xf32>, vector<1x128xf32> -> vector<1x128xf32>
    %get3A_12 = arith.constant 0 : index
    %get3A_13 = arith.constant 0 : index
    %get3A_14 = vector.load %arg4[%get3A_12, %get3A_13] : memref<1x128xf32, #tpu.memory_space<vmem>>, vector<1x128xf32>
    %add3A_15 = arith.addf %dot_general3A_11, %get3A_14 : vector<1x128xf32>
    %get3A_16 = arith.constant 0 : index
    %get3A_17 = arith.constant 0 : index
    %get3A_18 = vector.load %arg0[%get3A_16, %get3A_17] : memref<5000x128xf32, #tpu.memory_space<vmem>>, vector<5000x128xf32>
    %slice3A_19 = vector.extract_strided_slice %get3A_10 {offsets = [0, 0], sizes = [128, 128], strides = [1, 1]} : vector<256x128xf32> to vector<128x128xf32>
    %dot_general3A_20 = arith.constant dense<0.000000e+00> : vector<5000x128xf32>
    %dot_general3A_21 = tpu.matmul %get3A_18, %slice3A_19, %dot_general3A_20 {dimension_numbers = #tpu.dot_dimension_numbers<[1], [0], [0], [1], [0, 0, 1, 1], [], []>, transpose_lhs_hint = false} : vector<5000x128xf32>, vector<128x128xf32>, vector<5000x128xf32> -> vector<5000x128xf32>
    %add3A_22 = vector.broadcast %add3A_15 : vector<1x128xf32> to vector<5000x128xf32>
    %add3A_23 = arith.addf %dot_general3A_21, %add3A_22 : vector<5000x128xf32>
    %max3A = arith.constant 0.000000e+00 : f32
    %max3A_24 = vector.broadcast %max3A : f32 to vector<5000x128xf32>
    %max3A_25 = arith.maximumf %add3A_23, %max3A_24 : vector<5000x128xf32>
    %get3A_26 = arith.constant 0 : index
    %get3A_27 = arith.constant 0 : index
    %get3A_28 = vector.load %arg5[%get3A_26, %get3A_27] : memref<1x128xf32, #tpu.memory_space<vmem>>, vector<1x128xf32>
    %mul3A_29 = vector.broadcast %get3A_28 : vector<1x128xf32> to vector<5000x128xf32>
    %mul3A_30 = arith.mulf %max3A_25, %mul3A_29 : vector<5000x128xf32>
    %reduce_sum3A_31 = arith.constant dense<0.000000e+00> : vector<5000xf32>
    %reduce_sum3A_32 = vector.multi_reduction <add>, %mul3A_30, %reduce_sum3A_31 [1] : vector<5000x128xf32> to vector<5000xf32>
    %broadcast_in_dim3A_33 = vector.shape_cast %reduce_sum3A_32 : vector<5000xf32> to vector<5000x1xf32>
    %reshape3A = vector.shape_cast %broadcast_in_dim3A_33 : vector<5000x1xf32> to vector<5000xf32>
    %reduce_max3A = vector.shape_cast %reshape3A : vector<5000xf32> to vector<1x5000xf32>
    %reduce_max3A_34 = arith.constant dense<0xFF800000> : vector<1xf32>
    %reduce_max3A_35 = vector.multi_reduction <maximumf>, %reduce_max3A, %reduce_max3A_34 [1] : vector<1x5000xf32> to vector<1xf32>
    %reduce_max3A_36 = vector.shape_cast %reduce_max3A_35 : vector<1xf32> to vector<1x1xf32>
    %reduce_max3A_37 = vector.extract %reduce_max3A_36[0, 0] : f32 from vector<1x1xf32>
    %sub3A = vector.broadcast %reduce_max3A_37 : f32 to vector<5000xf32>
    %sub3A_38 = arith.subf %reshape3A, %sub3A : vector<5000xf32>
    %exp3A = math.exp %sub3A_38 : vector<5000xf32>
    %reduce_sum3A_39 = vector.shape_cast %exp3A : vector<5000xf32> to vector<1x5000xf32>
    %reduce_sum3A_40 = arith.constant dense<0.000000e+00> : vector<1xf32>
    %reduce_sum3A_41 = vector.multi_reduction <add>, %reduce_sum3A_39, %reduce_sum3A_40 [1] : vector<1x5000xf32> to vector<1xf32>
    %reduce_sum3A_42 = vector.shape_cast %reduce_sum3A_41 : vector<1xf32> to vector<1x1xf32>
    %reduce_sum3A_43 = vector.extract %reduce_sum3A_42[0, 0] : f32 from vector<1x1xf32>
    %div3A = arith.constant 1.000000e+00 : f32
    %div3A_44 = arith.divf %div3A, %reduce_sum3A_43 : f32
    %mul3A_45 = vector.broadcast %div3A_44 : f32 to vector<5000xf32>
    %mul3A_46 = arith.mulf %exp3A, %mul3A_45 : vector<5000xf32>
    %swap3A = arith.constant 0 : index
    %swap3A_47 = vector.load %arg6[%swap3A] : memref<5000xf32, #tpu.memory_space<vmem>>, vector<5000xf32>
    tpu.vector_store %arg6[%swap3A], %mul3A_46 {strides = array<i32>} : memref<5000xf32, #tpu.memory_space<vmem>>, vector<5000xf32>,
    return
  }
}

</mosaic_0001>

<sc_bundles>
// kernel: kernel.5.cloned.1.call-start
scs
__scs_entry_jumppad:
0x0: {  	(pc) =	sbr.rel $0x88, $3  }
0x1: {  	(tag) =	ssettag $0x0;
	lr =	simm.s32 $0x1  }
0x2: {  	[smem:$0x3F9C] =	sst lr;
	_ =	strace $0xD0000000  }
0x3: {  	_ = 	snop  }
0x4: {  	_ = 	snop  }
0x5: {  	_ = 	snop  }
0x6: {  	_ = 	snop  }
0x7: {  	_ = 	snop  }
__scs_overlays_trampoline_lowered:
0x8: {  	[smem:$0x3FAB] =	sst s0  }
0x9: {  	[smem:$0x3FAC] =	sst s1  }
0xa: {  	[smem:$0x3FAD] =	sst s2  }
0xb: {  	[smem:$0x3FAE] =	sst s3  }
0xc: {  	[smem:$0x3FAF] =	sst s4  }
0xd: {  	[smem:$0x3FB0] =	sst s5  }
0xe: {  	[smem:$0x3FB1] =	sst s6  }
0xf: {  	[smem:$0x3FB2] =	sst s7  }
0x10: {  	[smem:$0x3FB3] =	sst s8  }
0x11: {  	[smem:$0x3FB4] =	sst s9;
	s0 =	simm.s32 @!p0 $0x0  }
0x12: {  	s1 =	sld [smem:$0x3F9A];
	s0 =	simm.s32 @p0 $0x1  }
0x13: {  	[smem:$0x3FB5] =	sst s0;
	s0 =	simm.s32 @!p1 $0x0  }
0x14: {  	s2 =	sld [smem:$0x3F99];
	s0 =	simm.s32 @p1 $0x1  }
0x15: {  	[smem:$0x3FB6] =	sst s0;
	s0 =	simm.s32 @!p2 $0x0  }
0x16: {  	s3 =	sld [smem:$0x3FDB];
	s0 =	simm.s32 @p2 $0x1  }
0x17: {  	s4 =	simm.s32 $0x1BF5;
	[smem:$0x3FB8] =	sst s0  }
0x18: {  	s0 =	sld [smem:$0x3F9B];
	_ =	swait.ge [sflag:s4], $0x0  }
0x19: {  	s7 =	sld [smem:$0x3F9C]  }
0x1a: {  	s8 =	sadd.s32 $0xFFFFE003, lr  }
0x1b: {  	s9 =	sadd.s32 $0xFFFFFEF7, lr;
	s5 =	simm.s32 $0xFFFFFFFF;
	p2 =	slt.u32 s8, $0xFFFFF086  }
0x1c: {  	p1 =	slt.u32 s9, $0xF7A;
	s5 =	simm.s32 @!p2 $0x0  }
0x1d: {  	s5 =	simm.s32 @p1 $0x1;
	p0 =	seq.s32 s7, s2  }
0x1e: {  	s7 =	smul.u32 @!p0 $0xF7A, s2;
	p2 =	seq.s32 @!p0 s5, $0x0  }
0x1f: {  	s9 =	smul.u32 $0xF7A, s1;
	s8 =	simm.s32 @!p0 $0x1BF5;
	p2 =	por !p2, p0  }
0x20: {  	[sflag:s8] =	ssyncset.s32 @!p0 $0xFFFFF086;
	s6 =	sadd.s32 @!p0 s3, s7;
	s7 =	simm.s32 @!p0 $0x108  }
0x21: {  	s3 =	sadd.s32 s3, s9;
	s6 =	sadd.s32 @!p0 $0x88, s6;
	s7 =	simm.s32 @p2 $0x1082  }
0x22: {  	[simem:s7], [sflag:s8] =	dma.local @!p0 [hbm:s6], $0xF7A  }
0x23: {  	s9 =	sor.u32 $0xD0000000, s2;
	s6 =	simm.s32 $0x108;
	_ =	swait.ge @!p0 [sflag:s8], $0x0  }
0x24: {  	s3 =	sadd.s32 $0x88, s3;
	s6 =	simm.s32 @!p1 $0x1082;
	[sflag:s4] =	ssyncset.s32 $0xFFFFF086  }
0x25: {  	[simem:s6], [sflag:s4] =	dma.local [hbm:s3], $0xF7A  }
0x26: {  	[smem:$0x3F9C] =	sst s1;
	(tag) =	ssettag s2;
	_ =	strace s9  }
0x27: {  	s1 =	sld [smem:$0x3FAC]  }
0x28: {  	s2 =	sld [smem:$0x3FAD]  }
0x29: {  	s4 =	sld [smem:$0x3FAF]  }
0x2a: {  	p0 =	seq.s32 s5, $0x0;
	s5 =	sld [smem:$0x3FB0]  }
0x2b: {  	s6 =	sld [smem:$0x3FB1]  }
0x2c: {  	s7 =	sld [smem:$0x3FB2]  }
0x2d: {  	s3 =	simm.s32 $0x108;
	s8 =	sld [smem:$0x3FB3]  }
0x2e: {  	s3 =	simm.s32 @!p0 $0x1082;
	s9 =	sld [smem:$0x3FB4]  }
0x2f: {  	lr =	sadd.s32 s0, s3;
	s0 =	sld [smem:$0x3FAB]  }
0x30: {  	s3 =	sld [smem:$0x3FAE]  }
0x31: {  	[smem:$0x3FB7] =	sst s10  }
0x32: {  	s10 =	sld [smem:$0x3FB5];
	_ =	sdelay $0x3  }
0x33: {  	p0 =	seq.s32 s10, $0x1;
	s10 =	sld [smem:$0x3FB7];
	_ =	sdelay $0x3  }
0x34: {  	[smem:$0x3FB7] =	sst s10  }
0x35: {  	s10 =	sld [smem:$0x3FB6];
	_ =	sdelay $0x3  }
0x36: {  	p1 =	seq.s32 s10, $0x1;
	s10 =	sld [smem:$0x3FB7];
	_ =	sdelay $0x3  }
0x37: {  	[smem:$0x3FB7] =	sst s10  }
0x38: {  	s10 =	sld [smem:$0x3FB8]  }
0x39: {  	_ = 	snop;
	(pc) =	sbr.ind lr, $3  }
0x3a: {  	_ = 	snop  }
0x3b: {  	_ = 	snop  }
0x3c: {  	p2 =	seq.s32 s10, $0x1;
	s10 =	sld [smem:$0x3FB7]  }
0x3d: {  	_ =	shalt  }
0x3e: {  	_ =	shalt  }
0x3f: {  	_ =	shalt  }
0x40: {  	_ =	shalt  }
0x41: {  	_ =	shalt  }
0x42: {  	_ =	shalt  }
0x43: {  	_ =	shalt  }
0x44: {  	_ =	shalt  }
0x45: {  	_ =	shalt  }
0x46: {  	_ =	shalt  }
0x47: {  	_ =	shalt  }
0x48: {  	_ =	shalt  }
0x49: {  	_ =	shalt  }
0x4a: {  	_ =	shalt  }
0x4b: {  	_ =	shalt  }
0x4c: {  	_ =	shalt  }
0x4d: {  	_ =	shalt  }
0x4e: {  	_ =	shalt  }
0x4f: {  	_ =	shalt  }
0x50: {  	_ =	shalt  }
0x51: {  	_ =	shalt  }
0x52: {  	_ =	shalt  }
0x53: {  	_ =	shalt  }
0x54: {  	_ =	shalt  }
0x55: {  	_ =	shalt  }
0x56: {  	_ =	shalt  }
0x57: {  	_ =	shalt  }
0x58: {  	_ =	shalt  }
0x59: {  	_ =	shalt  }
0x5a: {  	_ =	shalt  }
0x5b: {  	_ =	shalt  }
0x5c: {  	_ =	shalt  }
0x5d: {  	_ =	shalt  }
0x5e: {  	_ =	shalt  }
0x5f: {  	_ =	shalt  }
0x60: {  	_ =	shalt  }
0x61: {  	_ =	shalt  }
0x62: {  	_ =	shalt  }
0x63: {  	_ =	shalt  }
0x64: {  	_ =	shalt  }
0x65: {  	_ =	shalt  }
0x66: {  	_ =	shalt  }
0x67: {  	_ =	shalt  }
0x68: {  	_ =	shalt  }
0x69: {  	_ =	shalt  }
0x6a: {  	_ =	shalt  }
0x6b: {  	_ =	shalt  }
0x6c: {  	_ =	shalt  }
0x6d: {  	_ =	shalt  }
0x6e: {  	_ =	shalt  }
0x6f: {  	_ =	shalt  }
0x70: {  	_ =	shalt  }
0x71: {  	_ =	shalt  }
0x72: {  	_ =	shalt  }
0x73: {  	_ =	shalt  }
0x74: {  	_ =	shalt  }
0x75: {  	_ =	shalt  }
0x76: {  	_ =	shalt  }
0x77: {  	_ =	shalt  }
0x78: {  	_ =	shalt  }
0x79: {  	_ =	shalt  }
0x7a: {  	_ =	shalt  }
0x7b: {  	_ =	shalt  }
0x7c: {  	_ =	shalt  }
0x7d: {  	_ =	shalt  }
0x7e: {  	_ =	shalt  }
0x7f: {  	_ =	shalt  }
0x80: {  	_ =	shalt  }
0x81: {  	_ =	shalt  }
0x82: {  	_ =	shalt  }
0x83: {  	_ =	shalt  }
0x84: {  	_ =	shalt  }
0x85: {  	_ =	shalt  }
0x86: {  	_ =	shalt  }
0x87: {  	_ =	shalt  }
.Lfunc_end0:
.L_simem_size_0:
called_computation_lowered:
.L_overlay_start_0:
0x88: {  	s2 =	sld [smem:$0x3FD9]  }
0x89: {  	s3 =	sld [smem:$0x3FFE];
	_ =	sdelay $0x1  }
0x8a: {  	s1 =	srdreg.scid  }
0x8b: {  	s0 =	sand.u32 $0x1, s1  }
0x8c: {  	s17 =	sshll.u32 s0, $0xA;
	s2 =	sadd.s32 s3, s2  }
0x8d: {  	s2 =	sadd.s32 s2, s17  }
0x8e: {  	[smem:$0x3FC3] =	sst s2  }
0x8f: {  	_ = 	snop  }
0x90: {  	s2 =	sld [smem:$0x3FC9]  }
0x91: {  	s18 =	sld [smem:$0x3FC8]  }
0x92: {  	s4 =	sld [smem:$0x3FD0];
	(tm) =	ssettm $0x1  }
0x93: {  	s5 =	sld [smem:$0x3FFB];
	_ =	sdelay $0x3  }
0x94: {  	_ =	strace s5  }
0x95: {  	s5 =	sld [smem:$0x3FFC];
	_ =	sdelay $0x3  }
0x96: {  	_ =	strace s5  }
0x97: {  	s5 =	sld [smem:$0x3FFD];
	_ =	sdelay $0x3  }
0x98: {  	_ =	strace s5  }
0x99: {  	_ =	strace $0x8FFFFFFF  }
0x9a: {  	s19 =	sld [smem:$0x3FDB];
	_ =	sdelay $0x1  }
0x9b: {  	s6 =	simm.s32 $_scs_section_size  }
0x9c: {  	s7 =	simm.s32 $_size__tile_overlayer_lowered;
	s8 =	simm.s32 $_tile_overlayer_lowered  }
0x9d: {  	s22 =	simm.s32 $0x1BFF;
	s21 =	sshll.u32 s8, $0x1;
	s5 =	sadd.s32 s6, s19  }
0x9e: {  	s9 =	simm.s32 $0x0;
	s20 =	sshll.u32 s7, $0x1;
	s7 =	sadd.s32 s21, s5  }
0x9f: {  	[timem:s9], [sflag:s22] =	dma.local [hbm:s7], s20  }
0xa0: {  	_ =	swait.ge [sflag:s22], s20  }
0xa1: {  	s6 =	ssub.s32 $0x0, s20;
	[sflag:s22] =	ssyncset.done $0x0  }
0xa2: {  	[sflag:s22] =	ssyncadd.s32 s6;
	_ =	sdelay $0x1  }
0xa3: {  	s23 =	simm.s32 $0x1B8B  }
0xa4: {  	_ =	swait.ge [sflag:s23], $0x1  }
0xa5: {  	[sflag:s23] =	ssyncset.done $0x0  }
0xa6: {  	s25 =	simm.s32 $0x1B8E;
	s24 =	sld [smem:$0x3FFE];
	[sflag:s23] =	ssyncadd.s32 $0xFFFFFFFF  }
0xa7: {  	s26 =	simm.s32 $execute0_lowered;
	[smem:$0x3FD2] =	sst s25  }
0xa8: {  	s7 =	sshll.u32 s26, $0x1;
	_ =	strace $0x80000046;
	[dreg:$0x1] =	wrdreg $0xFFFFFFFF  }
0xa9: {  	s28 =	simm.s32 $_size_execute0_lowered;
	s5 =	sadd.s32 s5, s7;
	[dreg:$0x0] =	wrdreg $0x0  }
0xaa: {  	s7 =	sshll.u32 s28, $0x1;
	[dreg:$0x2] =	wrdreg s5  }
0xab: {  	[dreg:$0x3] =	wrdreg s7  }
0xac: {  	[dreg:$0x4] =	wrdreg $0xC0  }
0xad: {  	_ =	task [dreg:s9], $0x5FFFF  }
0xae: {  	[dreg:$0x1] =	wrdreg $0xFFFFFFFF  }
0xaf: {  	[dreg:$0x0] =	wrdreg $0x60  }
0xb0: {  	[dreg:$0x2] =	wrdreg s2  }
0xb1: {  	[dreg:$0x3] =	wrdreg s18  }
0xb2: {  	[dreg:$0x4] =	wrdreg s24  }
0xb3: {  	[dreg:$0x5] =	wrdreg s4  }
0xb4: {  	[dreg:$0x6] =	wrdreg $0x9  }
0xb5: {  	_ =	task.clear_ibuf [dreg:s9], $0x7FFFF;
	_ =	strace $0x90000046  }
0xb6: {  	s29 =	simm.s32 $0x9;
	_ =	strace $0x80000048  }
0xb7: {  	_ =	swait.ge [sflag:s29], $0x1  }
0xb8: {  	[sflag:s29] =	ssyncadd.s32 $0xFFFFFFFF  }
0xb9: {  	_ =	strace $0x90000048  }
0xba: {  	_ =	sfence  }
0xbb: {  	s30 =	sld [smem:$0x0];
	_ =	sdelay $0x2  }
0xbc: {  	s31 =	sshll.u32 s1, $0xD;
	s1 =	sshrl.u32 s1, $0x2  }
0xbd: {  	s3 =	sand.u32 $0x4000, s31;
	s1 =	sadd.s32 s1, s30  }
0xbe: {  	s0 =	sor.u32 s3, s0;
	s1 =	sshll.u32 s1, $0x11  }
0xbf: {  	s0 =	sor.u32 s1, s0  }
0xc0: {  	s0 =	sadd.s32 $0x8F2B, s0  }
0xc1: {  	[sflag:s0] =	ssyncadd.remote.s32 $0x1  }
0xc2: {  	_ =	sfence.sel $0xFFFF  }
0xc3: {  	[dreg:$0x0] =	wrdreg $0xFFFFFFFF;
	(pc) =	sbr.abs _section_cstart, $3  }
0xc4: {  	[dreg:$0x1] =	wrdreg $0xFFFFFFFF  }
0xc5: {  	_ =	task.clear_ibuf [dreg:s9], $0x2FFFF;
	_ =	strace $0x9FFFFFFF  }
0xc6: {  	(tm) =	ssettm $0x7FFFFFFF  }
0xc7: {  	_ =	shalt  }
tec
execute0_lowered:
.L_overlay_start_1:
0x0: {  	(tag) =	ssettag $0x1  }
0x1: {  	s1 =	rddreg [dreg:$0x0]  }
0x2: {  	s5 =	rddreg [dreg:$0x1]  }
0x3: {  	s2 =	srdreg.scid;
	s6 =	rddreg [dreg:$0x2]  }
0x4: {  	s0 =	stileid.u32;
	s9 =	rddreg [dreg:$0x3];
	s3 =	simm.s32 $0x0  }
0x5: {  	s13 =	simm.s32 $0xA0;
	s14 =	simm.s32 $0x100;
	s15 =	simm.s32 $0x5100  }
0x6: {  	s16 =	simm.s32 $0xB500;
	s17 =	simm.s32 $0x2;
	s18 =	simm.s32 $0x3  }
0x7: {  	s19 =	simm.s32 $0x11900;
	s4 =	sand.u32 $0x1, s2;
	s28 =	sshll.u32 s0, $0x1  }
0x8: {  	s20 =	simm.s32 $0x1;
	s21 =	simm.s32 $0x0;
	s7 =	sor.u32 s4, s28  }
0x9: {  	s2 =	rddreg [dreg:$0x4];
	s4 =	ssub.s32 $0x2, s4;
	s8 =	smul.u32 $0xA0, s7  }
0xa: {  	[smem:$0x7FF] =	sst s3;
	s11 =	smul.u32 $0x19000, s7;
	s29 =	sshrl.u32 s4, $0x1  }
0xb: {  	_ =	strace $0x80000047;
	s31 =	sshll.u32 s7, $0x4;
	s12 =	ssub.s32 s4, s29  }
0xc: {  	s9 =	sadd.s32 s9, s31;
	s8 =	smin.u32 s8, $0x12E8;
	s11 =	sshrl.u32 s11, $0x3  }
0xd: {  	s10 =	sshll.u32 s8, $0x4;
	s8 =	sshrl.u32 s8, $0x3;
	s30 =	sadd.s32 s1, s11  }
0xe: {  	s11 =	smax.u32 s12, $0x1;
	s4 =	sadd.s32 s5, s8;
	s5 =	sadd.s32 $0x122A00, s30  }
0xf: {  	s10 =	sadd.s32 s10, s6;
	s6 =	sadd.s32 $0x123680, s30;
	s7 =	sadd.s32 $0x124300, s30  }
0x10: {  	s12 =	simm.s32 $0x4;
	s8 =	sadd.s32 $0x124F80, s30;
	s10 =	sadd.s32 $0x1200, s10  }
.LBB2_1:
0x11: {  	[tilespmem:s3], [sflag:$0x4] =	stream.linear.gather [hbm4b:s4+s3], $0xA0, $0x38;
	[tilespmem:$0x11980] =	vst v63  }
0x12: {  	_ =	swait.ge [sflag:s12], $0xA0  }
0x13: {  	[sflag:s12] =	ssyncset.done $0x0  }
0x14: {  	[sflag:s12] =	ssyncadd.s32 $0xFFFFFF60  }
0x15: {  	[tilespmem:s14], [sflag:$0x1] =	stream.indirect.gather [hbm4b:s1+s13], $0x80, s3, s13, $0xb8;
	[tilespmem:$0x11980] =	vst v63  }
0x16: {  	_ = 	snop  }
0x17: {  	[tilespmem:s15], [sflag:$0x2] =	stream.linear.gather [hbm4b:s5+s3], $0x6400, $0x38;
	[tilespmem:$0x11980] =	vst v63  }
0x18: {  	_ = 	snop  }
0x19: {  	[tilespmem:s16], [sflag:$0x3] =	stream.linear.gather [hbm4b:s6+s3], $0x6400, $0x38;
	[tilespmem:$0x11980] =	vst v63  }
0x1a: {  	_ =	swait.ge [sflag:s17], $0x6400  }
0x1b: {  	[sflag:s17] =	ssyncset.done $0x0  }
0x1c: {  	s22 =	simm.s32 $0x0;
	[sflag:s17] =	ssyncadd.s32 $0xFFFF9C00  }
0x1d: {  	v9 =	vld [tilespmem:s22+$0x5280]  }
0x1e: {  	v10 =	vld [tilespmem:s22+$0x5290]  }
0x1f: {  	v11 =	vld [tilespmem:s22+$0x52A0]  }
0x20: {  	v12 =	vld [tilespmem:s22+$0x52B0]  }
0x21: {  	v1 =	vld [tilespmem:s22+$0x52C0]  }
0x22: {  	v3 =	vld [tilespmem:s22+$0x52D0]  }
0x23: {  	v22 =	vld [tilespmem:s22+$0x5200]  }
0x24: {  	v23 =	vld [tilespmem:s22+$0x5210]  }
0x25: {  	v5 =	vld [tilespmem:s22+$0x5220]  }
0x26: {  	v24 =	vld [tilespmem:s22+$0x5230]  }
0x27: {  	v6 =	vld [tilespmem:s22+$0x5240]  }
0x28: {  	v0 =	vld [tilespmem:s22+$0x5180]  }
0x29: {  	v2 =	vld [tilespmem:s22+$0x5190]  }
0x2a: {  	v4 =	vld [tilespmem:s22+$0x5100]  }
0x2b: {  	v7 =	vld [tilespmem:s22+$0x5110]  }
0x2c: {  	v8 =	vld [tilespmem:s22+$0x5120]  }
0x2d: {  	v13 =	vld [tilespmem:s22+$0x5130]  }
0x2e: {  	v16 =	vld [tilespmem:s22+$0x51A0]  }
0x2f: {  	v17 =	vld [tilespmem:s22+$0x51B0]  }
0x30: {  	v15 =	vimm.f32 $0.0e+00;
	v14 =	vld [tilespmem:s22+$0x5250]  }
0x31: {  	v25 =	vld [tilespmem:s22+$0x51C0];
	v4 =	vadd.f32 v4, v15  }
0x32: {  	v26 =	vld [tilespmem:s22+$0x51D0];
	v7 =	vadd.f32 v7, v15;
	v8 =	vadd.f32 v8, v15  }
0x33: {  	v27 =	vld [tilespmem:s22+$0x5140];
	v13 =	vadd.f32 v13, v15;
	v30 =	vadd.f32 v0, v4  }
0x34: {  	v18 =	vimm.f32 $0.0e+00;
	v28 =	vld [tilespmem:s22+$0x5150];
	v31 =	vadd.f32 v2, v7;
	v32 =	vadd.f32 v16, v8  }
0x35: {  	s23 =	simm.s32 $0x800;
	v29 =	vld [tilespmem:s22+$0x5160];
	v33 =	vadd.f32 v17, v13;
	v16 =	vimm.f32 $0.0e+00;
	v17 =	vimm.f32 $0.0e+00  }
.LBB2_2:
0x36: {  	p0 =	sne.s32 s23, $0x18800;
	v0 =	vld [tilespmem:s22+$0x5170];
	v2 =	vadd.f32 v22, v30;
	v4 =	vadd.f32 v23, v31  }
0x37: {  	v7 =	vld [tilespmem:s22+$0x51E0];
	v5 =	vadd.f32 v5, v32;
	v8 =	vadd.f32 v24, v33  }
0x38: {  	v13 =	vld [tilespmem:s22+$0x51F0];
	v2 =	vadd.f32 v9, v2;
	v4 =	vadd.f32 v10, v4  }
0x39: {  	v19 =	vld [tilespmem:s22+$0x5260];
	v20 =	vadd.f32 v11, v5;
	v8 =	vadd.f32 v12, v8  }
0x3a: {  	v5 =	vadd.f32 v27, v15;
	v9 =	vadd.f32 v28, v18;
	v12 =	vld [tilespmem:s22+$0x5270]  }
0x3b: {  	v10 =	vadd.f32 v29, v16;
	v0 =	vadd.f32 v0, v17;
	v16 =	vld [tilespmem:s22+$0x52E0]  }
0x3c: {  	v5 =	vadd.f32 v25, v5;
	v11 =	vadd.f32 v26, v9;
	v17 =	vld [tilespmem:s22+$0x52F0];
	s22 =	sshra.s32 s23, $0x2  }
0x3d: {  	v7 =	vadd.f32 v7, v10;
	v9 =	vld [tilespmem:s22+$0x5280];
	v0 =	vadd.f32 v13, v0  }
0x3e: {  	v5 =	vadd.f32 v6, v5;
	v6 =	vadd.f32 v14, v11;
	v10 =	vld [tilespmem:s22+$0x5290]  }
0x3f: {  	v7 =	vadd.f32 v19, v7;
	v11 =	vld [tilespmem:s22+$0x52A0];
	v0 =	vadd.f32 v12, v0  }
0x40: {  	v15 =	vadd.f32 v1, v5;
	v18 =	vadd.f32 v3, v6;
	v12 =	vld [tilespmem:s22+$0x52B0]  }
0x41: {  	v16 =	vadd.f32 v16, v7;
	v1 =	vld [tilespmem:s22+$0x52C0];
	v17 =	vadd.f32 v17, v0  }
0x42: {  	v3 =	vld [tilespmem:s22+$0x52D0]  }
0x43: {  	v22 =	vld [tilespmem:s22+$0x5200]  }
0x44: {  	v23 =	vld [tilespmem:s22+$0x5210]  }
0x45: {  	v5 =	vld [tilespmem:s22+$0x5220]  }
0x46: {  	v24 =	vld [tilespmem:s22+$0x5230]  }
0x47: {  	v6 =	vld [tilespmem:s22+$0x5240]  }
0x48: {  	v14 =	vld [tilespmem:s22+$0x5250]  }
0x49: {  	v0 =	vld [tilespmem:s22+$0x5180]  }
0x4a: {  	v7 =	vld [tilespmem:s22+$0x5190]  }
0x4b: {  	v13 =	vld [tilespmem:s22+$0x5100]  }
0x4c: {  	v19 =	vld [tilespmem:s22+$0x5110]  }
0x4d: {  	v21 =	vld [tilespmem:s22+$0x5120]  }
0x4e: {  	v27 =	vld [tilespmem:s22+$0x5130]  }
0x4f: {  	v32 =	vld [tilespmem:s22+$0x51A0]  }
0x50: {  	v33 =	vld [tilespmem:s22+$0x51B0]  }
.Ltmp0:
0x51: {  	v25 =	vld [tilespmem:s22+$0x51C0];
	(pc) =	sbr.rel @p0 .LBB2_2-.Ltmp0, $4  }
0x52: {  	v2 =	vadd.f32 v13, v2;
	v4 =	vadd.f32 v19, v4;
	v26 =	vld [tilespmem:s22+$0x51D0]  }
0x53: {  	v13 =	vadd.f32 v21, v20;
	v8 =	vadd.f32 v27, v8;
	v27 =	vld [tilespmem:s22+$0x5140]  }
0x54: {  	v30 =	vadd.f32 v0, v2;
	v31 =	vadd.f32 v7, v4;
	v28 =	vld [tilespmem:s22+$0x5150]  }
0x55: {  	s23 =	sadd.s32 $0x800, s23;
	v32 =	vadd.f32 v32, v13;
	v29 =	vld [tilespmem:s22+$0x5160];
	v33 =	vadd.f32 v33, v8  }
0x56: {  	v34 =	vld [tilespmem:s22+$0x5170]  }
0x57: {  	v35 =	vld [tilespmem:s22+$0x51E0]  }
0x58: {  	v36 =	vld [tilespmem:s22+$0x51F0]  }
0x59: {  	v37 =	vld [tilespmem:s22+$0x5260]  }
0x5a: {  	v38 =	vld [tilespmem:s22+$0x5270]  }
0x5b: {  	v39 =	vld [tilespmem:s22+$0x52E0];
	s31 =	simm.s32 $0x0  }
0x5c: {  	v40 =	vld [tilespmem:s22+$0x52F0];
	[tilespmem:s15], [sflag:$0x2] =	stream.linear.gather [hbm4b:s7+s31], $0x6400, $0x38  }
0x5d: {  	_ =	swait.ge [sflag:s18], $0x6400  }
0x5e: {  	[sflag:s18] =	ssyncset.done $0x0  }
0x5f: {  	s22 =	simm.s32 $0x0;
	[sflag:s18] =	ssyncadd.s32 $0xFFFF9C00  }
0x60: {  	v4 =	vld [tilespmem:s22+$0xB680]  }
0x61: {  	v7 =	vld [tilespmem:s22+$0xB690]  }
0x62: {  	v8 =	vld [tilespmem:s22+$0xB6A0]  }
0x63: {  	v13 =	vld [tilespmem:s22+$0xB6B0]  }
0x64: {  	v0 =	vld [tilespmem:s22+$0xB6C0]  }
0x65: {  	v2 =	vld [tilespmem:s22+$0xB6D0]  }
0x66: {  	v20 =	vld [tilespmem:s22+$0xB600]  }
0x67: {  	v21 =	vld [tilespmem:s22+$0xB610]  }
0x68: {  	v19 =	vld [tilespmem:s22+$0xB620]  }
0x69: {  	v22 =	vadd.f32 v22, v30;
	v30 =	vadd.f32 v23, v31;
	v23 =	vld [tilespmem:s22+$0xB630]  }
0x6a: {  	v31 =	vadd.f32 v5, v32;
	v24 =	vadd.f32 v24, v33;
	v5 =	vld [tilespmem:s22+$0xB640]  }
0x6b: {  	v9 =	vadd.f32 v9, v22;
	v22 =	vadd.f32 v10, v30;
	v10 =	vld [tilespmem:s22+$0xB650]  }
0x6c: {  	v15 =	vadd.f32 v27, v15;
	v12 =	vadd.f32 v12, v24;
	v24 =	vld [tilespmem:s22+$0xB580]  }
0x6d: {  	v11 =	vadd.f32 v11, v31;
	v18 =	vadd.f32 v28, v18;
	v30 =	vld [tilespmem:s22+$0xB590]  }
0x6e: {  	v16 =	vadd.f32 v29, v16;
	v15 =	vadd.f32 v25, v15;
	v27 =	vld [tilespmem:s22+$0xB500]  }
0x6f: {  	v17 =	vadd.f32 v34, v17;
	v18 =	vadd.f32 v26, v18;
	v25 =	vld [tilespmem:s22+$0xB510]  }
0x70: {  	v28 =	vld [tilespmem:s22+$0xB520];
	v16 =	vadd.f32 v35, v16;
	v6 =	vadd.f32 v6, v15  }
0x71: {  	v29 =	vld [tilespmem:s22+$0xB530];
	v17 =	vadd.f32 v36, v17;
	v14 =	vadd.f32 v14, v18  }
0x72: {  	v63 =	vld [tilespmem:s22+$0xB5A0];
	v18 =	vadd.f32 v37, v16;
	v15 =	vadd.f32 v1, v6  }
0x73: {  	v1 =	vld [tilespmem:s22+$0xB5B0];
	v26 =	vadd.f32 v38, v17;
	v16 =	vadd.f32 v3, v14  }
0x74: {  	v17 =	vadd.f32 v39, v18;
	v3 =	vadd.f32 v27, v9;
	v27 =	vld [tilespmem:s22+$0xB5D0]  }
0x75: {  	v6 =	vadd.f32 v25, v22;
	v11 =	vadd.f32 v28, v11;
	v28 =	vld [tilespmem:s22+$0xB540]  }
0x76: {  	v12 =	vadd.f32 v29, v12;
	v29 =	vld [tilespmem:s22+$0xB550];
	v18 =	vadd.f32 v40, v26  }
0x77: {  	v26 =	vld [tilespmem:s22+$0xB5C0];
	v9 =	vadd.f32 v24, v3;
	v31 =	vadd.f32 v30, v6  }
0x78: {  	s23 =	simm.s32 $0x800;
	v30 =	vld [tilespmem:s22+$0xB560];
	v32 =	vadd.f32 v63, v11;
	v33 =	vadd.f32 v1, v12  }
.LBB2_4:
0x79: {  	p0 =	sne.s32 s23, $0x18800;
	v1 =	vld [tilespmem:s22+$0xB570];
	v3 =	vadd.f32 v20, v9;
	v6 =	vadd.f32 v21, v31  }
0x7a: {  	v9 =	vld [tilespmem:s22+$0xB5E0];
	v11 =	vadd.f32 v19, v32;
	v12 =	vadd.f32 v23, v33  }
0x7b: {  	v14 =	vld [tilespmem:s22+$0xB5F0];
	v3 =	vadd.f32 v4, v3;
	v6 =	vadd.f32 v7, v6  }
0x7c: {  	v19 =	vld [tilespmem:s22+$0xB660];
	v11 =	vadd.f32 v8, v11;
	v12 =	vadd.f32 v13, v12  }
0x7d: {  	v4 =	vadd.f32 v28, v15;
	v7 =	vadd.f32 v29, v16;
	v13 =	vld [tilespmem:s22+$0xB670]  }
0x7e: {  	v8 =	vadd.f32 v30, v17;
	v1 =	vadd.f32 v1, v18;
	v17 =	vld [tilespmem:s22+$0xB6E0]  }
0x7f: {  	v15 =	vadd.f32 v26, v4;
	v16 =	vadd.f32 v27, v7;
	v18 =	vld [tilespmem:s22+$0xB6F0];
	s22 =	sshra.s32 s23, $0x2  }
0x80: {  	v9 =	vadd.f32 v9, v8;
	v4 =	vld [tilespmem:s22+$0xB680];
	v1 =	vadd.f32 v14, v1  }
0x81: {  	v5 =	vadd.f32 v5, v15;
	v10 =	vadd.f32 v10, v16;
	v7 =	vld [tilespmem:s22+$0xB690]  }
0x82: {  	v9 =	vadd.f32 v19, v9;
	v8 =	vld [tilespmem:s22+$0xB6A0];
	v1 =	vadd.f32 v13, v1  }
0x83: {  	v15 =	vadd.f32 v0, v5;
	v16 =	vadd.f32 v2, v10;
	v13 =	vld [tilespmem:s22+$0xB6B0]  }
0x84: {  	v17 =	vadd.f32 v17, v9;
	v0 =	vld [tilespmem:s22+$0xB6C0];
	v18 =	vadd.f32 v18, v1  }
0x85: {  	v2 =	vld [tilespmem:s22+$0xB6D0]  }
0x86: {  	v20 =	vld [tilespmem:s22+$0xB600]  }
0x87: {  	v21 =	vld [tilespmem:s22+$0xB610]  }
0x88: {  	v19 =	vld [tilespmem:s22+$0xB620]  }
0x89: {  	v23 =	vld [tilespmem:s22+$0xB630]  }
0x8a: {  	v5 =	vld [tilespmem:s22+$0xB640]  }
0x8b: {  	v10 =	vld [tilespmem:s22+$0xB650]  }
0x8c: {  	v1 =	vld [tilespmem:s22+$0xB580]  }
0x8d: {  	v14 =	vld [tilespmem:s22+$0xB590]  }
0x8e: {  	v9 =	vld [tilespmem:s22+$0xB500]  }
0x8f: {  	v22 =	vld [tilespmem:s22+$0xB510]  }
0x90: {  	v24 =	vld [tilespmem:s22+$0xB520]  }
0x91: {  	v25 =	vld [tilespmem:s22+$0xB530]  }
0x92: {  	v32 =	vld [tilespmem:s22+$0xB5A0]  }
0x93: {  	v33 =	vld [tilespmem:s22+$0xB5B0]  }
.Ltmp1:
0x94: {  	v26 =	vld [tilespmem:s22+$0xB5C0];
	(pc) =	sbr.rel @p0 .LBB2_4-.Ltmp1, $4  }
0x95: {  	v3 =	vadd.f32 v9, v3;
	v6 =	vadd.f32 v22, v6;
	v27 =	vld [tilespmem:s22+$0xB5D0]  }
0x96: {  	v11 =	vadd.f32 v24, v11;
	v12 =	vadd.f32 v25, v12;
	v28 =	vld [tilespmem:s22+$0xB540]  }
0x97: {  	v9 =	vadd.f32 v1, v3;
	v31 =	vadd.f32 v14, v6;
	v29 =	vld [tilespmem:s22+$0xB550]  }
0x98: {  	s23 =	sadd.s32 $0x800, s23;
	v32 =	vadd.f32 v32, v11;
	v30 =	vld [tilespmem:s22+$0xB560];
	v33 =	vadd.f32 v33, v12  }
0x99: {  	v34 =	vld [tilespmem:s22+$0xB570]  }
0x9a: {  	v35 =	vld [tilespmem:s22+$0xB5E0]  }
0x9b: {  	v36 =	vld [tilespmem:s22+$0xB5F0]  }
0x9c: {  	v37 =	vld [tilespmem:s22+$0xB660]  }
0x9d: {  	v38 =	vld [tilespmem:s22+$0xB670]  }
0x9e: {  	v39 =	vld [tilespmem:s22+$0xB6E0];
	s31 =	simm.s32 $0x0  }
0x9f: {  	v40 =	vld [tilespmem:s22+$0xB6F0];
	[tilespmem:s16], [sflag:$0x3] =	stream.linear.gather [hbm4b:s8+s31], $0x6400, $0x38  }
0xa0: {  	_ =	swait.ge [sflag:s17], $0x6400  }
0xa1: {  	[sflag:s17] =	ssyncset.done $0x0  }
0xa2: {  	s22 =	simm.s32 $0x0;
	[sflag:s17] =	ssyncadd.s32 $0xFFFF9C00  }
0xa3: {  	v6 =	vld [tilespmem:s22+$0x5280]  }
0xa4: {  	v11 =	vld [tilespmem:s22+$0x5290]  }
0xa5: {  	v12 =	vld [tilespmem:s22+$0x52A0]  }
0xa6: {  	v14 =	vld [tilespmem:s22+$0x52B0]  }
0xa7: {  	v1 =	vld [tilespmem:s22+$0x52C0]  }
0xa8: {  	v3 =	vld [tilespmem:s22+$0x52D0]  }
0xa9: {  	v24 =	vld [tilespmem:s22+$0x5200]  }
0xaa: {  	v25 =	vld [tilespmem:s22+$0x5210]  }
0xab: {  	v22 =	vld [tilespmem:s22+$0x5220]  }
0xac: {  	v41 =	vadd.f32 v20, v9;
	v21 =	vadd.f32 v21, v31;
	v20 =	vld [tilespmem:s22+$0x5230]  }
0xad: {  	v19 =	vadd.f32 v19, v32;
	v23 =	vadd.f32 v23, v33;
	v9 =	vld [tilespmem:s22+$0x5240]  }
0xae: {  	v31 =	vadd.f32 v4, v41;
	v7 =	vadd.f32 v7, v21;
	v4 =	vld [tilespmem:s22+$0x5250]  }
0xaf: {  	v15 =	vadd.f32 v28, v15;
	v8 =	vadd.f32 v8, v19;
	v19 =	vld [tilespmem:s22+$0x5180]  }
0xb0: {  	v13 =	vadd.f32 v13, v23;
	v16 =	vadd.f32 v29, v16;
	v21 =	vld [tilespmem:s22+$0x5190]  }
0xb1: {  	v17 =	vadd.f32 v30, v17;
	v15 =	vadd.f32 v26, v15;
	v23 =	vld [tilespmem:s22+$0x5100]  }
0xb2: {  	v18 =	vadd.f32 v34, v18;
	v16 =	vadd.f32 v27, v16;
	v27 =	vld [tilespmem:s22+$0x5110]  }
0xb3: {  	v28 =	vld [tilespmem:s22+$0x5120];
	v17 =	vadd.f32 v35, v17;
	v5 =	vadd.f32 v5, v15  }
0xb4: {  	v29 =	vld [tilespmem:s22+$0x5130];
	v18 =	vadd.f32 v36, v18;
	v10 =	vadd.f32 v10, v16  }
0xb5: {  	v63 =	vld [tilespmem:s22+$0x51A0];
	v17 =	vadd.f32 v37, v17;
	v15 =	vadd.f32 v0, v5  }
0xb6: {  	v0 =	vld [tilespmem:s22+$0x51B0];
	v18 =	vadd.f32 v38, v18;
	v16 =	vadd.f32 v2, v10  }
0xb7: {  	v26 =	vld [tilespmem:s22+$0x51C0];
	v17 =	vadd.f32 v39, v17;
	v2 =	vadd.f32 v23, v31  }
0xb8: {  	v30 =	vld [tilespmem:s22+$0x5160];
	v5 =	vadd.f32 v27, v7;
	v7 =	vadd.f32 v28, v8  }
0xb9: {  	v27 =	vld [tilespmem:s22+$0x51D0];
	v8 =	vadd.f32 v29, v13;
	v18 =	vadd.f32 v40, v18  }
0xba: {  	v28 =	vld [tilespmem:s22+$0x5140];
	v10 =	vadd.f32 v19, v2;
	v31 =	vadd.f32 v21, v5  }
0xbb: {  	s23 =	simm.s32 $0x800;
	v29 =	vld [tilespmem:s22+$0x5150];
	v32 =	vadd.f32 v63, v7;
	v33 =	vadd.f32 v0, v8  }
.LBB2_6:
0xbc: {  	p0 =	sne.s32 s23, $0x18800;
	v0 =	vld [tilespmem:s22+$0x5170];
	v2 =	vadd.f32 v24, v10;
	v5 =	vadd.f32 v25, v31  }
0xbd: {  	v7 =	vld [tilespmem:s22+$0x51E0];
	v8 =	vadd.f32 v22, v32;
	v10 =	vadd.f32 v20, v33  }
0xbe: {  	v13 =	vld [tilespmem:s22+$0x51F0];
	v2 =	vadd.f32 v6, v2;
	v5 =	vadd.f32 v11, v5  }
0xbf: {  	v19 =	vld [tilespmem:s22+$0x5260];
	v8 =	vadd.f32 v12, v8;
	v10 =	vadd.f32 v14, v10  }
0xc0: {  	v6 =	vadd.f32 v28, v15;
	v11 =	vadd.f32 v29, v16;
	v14 =	vld [tilespmem:s22+$0x5270]  }
0xc1: {  	v12 =	vadd.f32 v30, v17;
	v0 =	vadd.f32 v0, v18;
	v17 =	vld [tilespmem:s22+$0x52E0]  }
0xc2: {  	v15 =	vadd.f32 v26, v6;
	v16 =	vadd.f32 v27, v11;
	v18 =	vld [tilespmem:s22+$0x52F0];
	s22 =	sshra.s32 s23, $0x2  }
0xc3: {  	v7 =	vadd.f32 v7, v12;
	v6 =	vld [tilespmem:s22+$0x5280];
	v0 =	vadd.f32 v13, v0  }
0xc4: {  	v9 =	vadd.f32 v9, v15;
	v4 =	vadd.f32 v4, v16;
	v11 =	vld [tilespmem:s22+$0x5290]  }
0xc5: {  	v7 =	vadd.f32 v19, v7;
	v12 =	vld [tilespmem:s22+$0x52A0];
	v0 =	vadd.f32 v14, v0  }
0xc6: {  	v15 =	vadd.f32 v1, v9;
	v16 =	vadd.f32 v3, v4;
	v14 =	vld [tilespmem:s22+$0x52B0]  }
0xc7: {  	v17 =	vadd.f32 v17, v7;
	v1 =	vld [tilespmem:s22+$0x52C0];
	v18 =	vadd.f32 v18, v0  }
0xc8: {  	v3 =	vld [tilespmem:s22+$0x52D0]  }
0xc9: {  	v24 =	vld [tilespmem:s22+$0x5200]  }
0xca: {  	v25 =	vld [tilespmem:s22+$0x5210]  }
0xcb: {  	v22 =	vld [tilespmem:s22+$0x5220]  }
0xcc: {  	v20 =	vld [tilespmem:s22+$0x5230]  }
0xcd: {  	v9 =	vld [tilespmem:s22+$0x5240]  }
0xce: {  	v4 =	vld [tilespmem:s22+$0x5250]  }
0xcf: {  	v0 =	vld [tilespmem:s22+$0x5180]  }
0xd0: {  	v7 =	vld [tilespmem:s22+$0x5190]  }
0xd1: {  	v13 =	vld [tilespmem:s22+$0x5100]  }
0xd2: {  	v19 =	vld [tilespmem:s22+$0x5110]  }
0xd3: {  	v21 =	vld [tilespmem:s22+$0x5120]  }
0xd4: {  	v23 =	vld [tilespmem:s22+$0x5130]  }
0xd5: {  	v32 =	vld [tilespmem:s22+$0x51A0]  }
0xd6: {  	v33 =	vld [tilespmem:s22+$0x51B0]  }
.Ltmp2:
0xd7: {  	v26 =	vld [tilespmem:s22+$0x51C0];
	(pc) =	sbr.rel @p0 .LBB2_6-.Ltmp2, $4  }
0xd8: {  	v2 =	vadd.f32 v13, v2;
	v5 =	vadd.f32 v19, v5;
	v27 =	vld [tilespmem:s22+$0x51D0]  }
0xd9: {  	v8 =	vadd.f32 v21, v8;
	v13 =	vadd.f32 v23, v10;
	v28 =	vld [tilespmem:s22+$0x5140]  }
0xda: {  	v10 =	vadd.f32 v0, v2;
	v31 =	vadd.f32 v7, v5;
	v29 =	vld [tilespmem:s22+$0x5150]  }
0xdb: {  	s23 =	sadd.s32 $0x800, s23;
	v32 =	vadd.f32 v32, v8;
	v30 =	vld [tilespmem:s22+$0x5160];
	v33 =	vadd.f32 v33, v13  }
0xdc: {  	v34 =	vld [tilespmem:s22+$0x5170]  }
0xdd: {  	v35 =	vld [tilespmem:s22+$0x51E0]  }
0xde: {  	v36 =	vld [tilespmem:s22+$0x51F0]  }
0xdf: {  	v37 =	vld [tilespmem:s22+$0x5260]  }
0xe0: {  	v38 =	vld [tilespmem:s22+$0x5270]  }
0xe1: {  	v39 =	vld [tilespmem:s22+$0x52E0]  }
0xe2: {  	v40 =	vld [tilespmem:s22+$0x52F0];
	_ =	swait.ge [sflag:s18], $0x6400  }
0xe3: {  	[sflag:s18] =	ssyncset.done $0x0  }
0xe4: {  	s22 =	simm.s32 $0x0;
	[sflag:s18] =	ssyncadd.s32 $0xFFFF9C00  }
0xe5: {  	v5 =	vld [tilespmem:s22+$0xB680]  }
0xe6: {  	v7 =	vld [tilespmem:s22+$0xB690]  }
0xe7: {  	v8 =	vld [tilespmem:s22+$0xB6A0]  }
0xe8: {  	v13 =	vld [tilespmem:s22+$0xB6B0]  }
0xe9: {  	v0 =	vld [tilespmem:s22+$0xB6C0]  }
0xea: {  	v2 =	vld [tilespmem:s22+$0xB6D0]  }
0xeb: {  	v21 =	vld [tilespmem:s22+$0xB600]  }
0xec: {  	v23 =	vld [tilespmem:s22+$0xB610]  }
0xed: {  	v19 =	vld [tilespmem:s22+$0xB620]  }
0xee: {  	v41 =	vadd.f32 v24, v10;
	v25 =	vadd.f32 v25, v31;
	v24 =	vld [tilespmem:s22+$0xB630]  }
0xef: {  	v22 =	vadd.f32 v22, v32;
	v20 =	vadd.f32 v20, v33;
	v10 =	vld [tilespmem:s22+$0xB640]  }
0xf0: {  	v60 =	vadd.f32 v6, v41;
	v25 =	vadd.f32 v11, v25;
	v6 =	vld [tilespmem:s22+$0xB650]  }
0xf1: {  	v11 =	vadd.f32 v28, v15;
	v14 =	vadd.f32 v14, v20;
	v20 =	vld [tilespmem:s22+$0xB580]  }
0xf2: {  	v22 =	vadd.f32 v12, v22;
	v12 =	vadd.f32 v29, v16;
	v16 =	vld [tilespmem:s22+$0xB590]  }
0xf3: {  	v15 =	vadd.f32 v30, v17;
	v11 =	vadd.f32 v26, v11;
	v26 =	vld [tilespmem:s22+$0xB510]  }
0xf4: {  	v17 =	vadd.f32 v34, v18;
	v18 =	vld [tilespmem:s22+$0xB500];
	v12 =	vadd.f32 v27, v12  }
0xf5: {  	v27 =	vld [tilespmem:s22+$0xB520];
	v15 =	vadd.f32 v35, v15;
	v9 =	vadd.f32 v9, v11  }
0xf6: {  	v61 =	vld [tilespmem:s22+$0xB530];
	v17 =	vadd.f32 v36, v17;
	v4 =	vadd.f32 v4, v12  }
0xf7: {  	v62 =	vld [tilespmem:s22+$0xB5A0];
	v11 =	vadd.f32 v37, v15;
	v9 =	vadd.f32 v1, v9  }
0xf8: {  	v63 =	vld [tilespmem:s22+$0xB5B0];
	v12 =	vadd.f32 v38, v17;
	v3 =	vadd.f32 v3, v4  }
0xf9: {  	v15 =	vld [tilespmem:s22+$0xB550];
	v4 =	vadd.f32 v39, v11;
	v17 =	vadd.f32 v18, v60  }
0xfa: {  	v11 =	vld [tilespmem:s22+$0xB5C0];
	v18 =	vadd.f32 v26, v25;
	v22 =	vadd.f32 v27, v22  }
0xfb: {  	v25 =	vadd.f32 v61, v14;
	v14 =	vld [tilespmem:s22+$0xB540];
	v1 =	vadd.f32 v40, v12  }
0xfc: {  	v12 =	vld [tilespmem:s22+$0xB5D0];
	v17 =	vadd.f32 v20, v17;
	v18 =	vadd.f32 v16, v18  }
0xfd: {  	s23 =	simm.s32 $0x800;
	v16 =	vld [tilespmem:s22+$0xB560];
	v20 =	vadd.f32 v62, v22;
	v22 =	vadd.f32 v63, v25  }
.LBB2_8:
0xfe: {  	p0 =	sne.s32 s23, $0x18800;
	v25 =	vld [tilespmem:s22+$0xB570];
	v17 =	vadd.f32 v21, v17;
	v18 =	vadd.f32 v23, v18  }
0xff: {  	v21 =	vld [tilespmem:s22+$0xB5E0];
	v19 =	vadd.f32 v19, v20;
	v20 =	vadd.f32 v24, v22  }
0x100: {  	v22 =	vld [tilespmem:s22+$0xB5F0];
	v17 =	vadd.f32 v5, v17;
	v18 =	vadd.f32 v7, v18  }
0x101: {  	v23 =	vld [tilespmem:s22+$0xB660];
	v26 =	vadd.f32 v8, v19;
	v20 =	vadd.f32 v13, v20  }
0x102: {  	v5 =	vadd.f32 v14, v9;
	v3 =	vadd.f32 v15, v3;
	v9 =	vld [tilespmem:s22+$0xB670]  }
0x103: {  	v4 =	vadd.f32 v16, v4;
	v1 =	vadd.f32 v25, v1;
	v14 =	vld [tilespmem:s22+$0xB6E0]  }
0x104: {  	v8 =	vadd.f32 v11, v5;
	v3 =	vadd.f32 v12, v3;
	v11 =	vld [tilespmem:s22+$0xB6F0];
	s22 =	sshra.s32 s23, $0x2  }
0x105: {  	v4 =	vadd.f32 v21, v4;
	v5 =	vld [tilespmem:s22+$0xB680];
	v1 =	vadd.f32 v22, v1  }
0x106: {  	v10 =	vadd.f32 v10, v8;
	v3 =	vadd.f32 v6, v3;
	v7 =	vld [tilespmem:s22+$0xB690]  }
0x107: {  	v4 =	vadd.f32 v23, v4;
	v8 =	vld [tilespmem:s22+$0xB6A0];
	v1 =	vadd.f32 v9, v1  }
0x108: {  	v9 =	vadd.f32 v0, v10;
	v3 =	vadd.f32 v2, v3;
	v13 =	vld [tilespmem:s22+$0xB6B0]  }
0x109: {  	v4 =	vadd.f32 v14, v4;
	v0 =	vld [tilespmem:s22+$0xB6C0];
	v1 =	vadd.f32 v11, v1  }
0x10a: {  	v2 =	vld [tilespmem:s22+$0xB6D0]  }
0x10b: {  	v21 =	vld [tilespmem:s22+$0xB600]  }
0x10c: {  	v23 =	vld [tilespmem:s22+$0xB610]  }
0x10d: {  	v19 =	vld [tilespmem:s22+$0xB620]  }
0x10e: {  	v24 =	vld [tilespmem:s22+$0xB630]  }
0x10f: {  	v10 =	vld [tilespmem:s22+$0xB640]  }
0x110: {  	v6 =	vld [tilespmem:s22+$0xB650]  }
0x111: {  	v16 =	vld [tilespmem:s22+$0xB580]  }
0x112: {  	v22 =	vld [tilespmem:s22+$0xB590]  }
0x113: {  	v12 =	vld [tilespmem:s22+$0xB500]  }
0x114: {  	v14 =	vld [tilespmem:s22+$0xB510]  }
0x115: {  	v15 =	vld [tilespmem:s22+$0xB520]  }
0x116: {  	v25 =	vld [tilespmem:s22+$0xB530]  }
0x117: {  	v27 =	vld [tilespmem:s22+$0xB5A0]  }
0x118: {  	v28 =	vld [tilespmem:s22+$0xB5B0]  }
.Ltmp3:
0x119: {  	v11 =	vld [tilespmem:s22+$0xB5C0];
	(pc) =	sbr.rel @p0 .LBB2_8-.Ltmp3, $4  }
0x11a: {  	v17 =	vadd.f32 v12, v17;
	v18 =	vadd.f32 v14, v18;
	v12 =	vld [tilespmem:s22+$0xB5D0]  }
0x11b: {  	v26 =	vadd.f32 v15, v26;
	v25 =	vadd.f32 v25, v20;
	v14 =	vld [tilespmem:s22+$0xB540]  }
0x11c: {  	v17 =	vadd.f32 v16, v17;
	v18 =	vadd.f32 v22, v18;
	v15 =	vld [tilespmem:s22+$0xB550]  }
0x11d: {  	s23 =	sadd.s32 $0x800, s23;
	v20 =	vadd.f32 v27, v26;
	v16 =	vld [tilespmem:s22+$0xB560];
	v22 =	vadd.f32 v28, v25  }
0x11e: {  	v17 =	vadd.f32 v21, v17;
	v18 =	vadd.f32 v23, v18  }
0x11f: {  	v25 =	vld [tilespmem:s22+$0xB570];
	v19 =	vadd.f32 v19, v20;
	v56 =	vadd.f32 v24, v22  }
0x120: {  	v55 =	vld [tilespmem:s22+$0xB5E0];
	v5 =	vadd.f32 v5, v17;
	v7 =	vadd.f32 v7, v18  }
0x121: {  	v57 =	vld [tilespmem:s22+$0xB5F0];
	v9 =	vadd.f32 v14, v9;
	v8 =	vadd.f32 v8, v19  }
0x122: {  	v58 =	vld [tilespmem:s22+$0xB660];
	v13 =	vadd.f32 v13, v56;
	v3 =	vadd.f32 v15, v3  }
0x123: {  	v59 =	vld [tilespmem:s22+$0xB670];
	v4 =	vadd.f32 v16, v4;
	v9 =	vadd.f32 v11, v9  }
0x124: {  	v60 =	vld [tilespmem:s22+$0xB6E0];
	v1 =	vadd.f32 v25, v1;
	v3 =	vadd.f32 v12, v3  }
0x125: {  	v61 =	vld [tilespmem:s22+$0xB6F0];
	[tilespmem:$0x11900] =	vst v5;
	v4 =	vadd.f32 v55, v4;
	v9 =	vadd.f32 v10, v9  }
0x126: {  	[tilespmem:$0x11910] =	vst v7;
	v1 =	vadd.f32 v57, v1;
	v3 =	vadd.f32 v6, v3  }
0x127: {  	[tilespmem:$0x11920] =	vst v8;
	v4 =	vadd.f32 v58, v4;
	v0 =	vadd.f32 v0, v9  }
0x128: {  	[tilespmem:$0x11930] =	vst v13;
	v1 =	vadd.f32 v59, v1;
	v2 =	vadd.f32 v2, v3  }
0x129: {  	v62 =	vadd.f32 v60, v4;
	[tilespmem:$0x11940] =	vst v0  }
0x12a: {  	v63 =	vadd.f32 v61, v1;
	[tilespmem:$0x11950] =	vst v2  }
0x12b: {  	[tilespmem:$0x11960] =	vst v62  }
0x12c: {  	[tilespmem:$0x11970] =	vst v63  }
0x12d: {  	[hbm4b:s9+s3] =	stream.linear.scatter [tilespmem:s19], [sflag:$0x4], $0x80, $0x38;
	[tilespmem:$0x11980] =	vst v63  }
0x12e: {  	_ =	swait.ge [sflag:s12], $0x80  }
0x12f: {  	[sflag:s12] =	ssyncset.done $0x0  }
0x130: {  	[sflag:s12] =	ssyncadd.s32 $0xFFFFFF80  }
0x131: {  	s21 =	sadd.s32 $0x1, s21;
	_ =	swait.ge [sflag:s20], $0x5000  }
0x132: {  	p0 =	sne.s32 s21, s11;
	[sflag:s20] =	ssyncset.done $0x0  }
.Ltmp4:
0x133: {  	[sflag:s20] =	ssyncadd.s32 $0xFFFFB000;
	(pc) =	sbr.rel @p0 .LBB2_1-.Ltmp4, $4  }
0x134: {  	[hbm4b:s10+s3] =	stream.linear.scatter [tilespmem:s14], [sflag:$0x4], $0x5000, $0x38;
	[tilespmem:$0x11980] =	vst v63  }
0x135: {  	_ =	swait.ge [sflag:s12], $0x5000  }
0x136: {  	[sflag:s12] =	ssyncset.done $0x0  }
0x137: {  	[sflag:s12] =	ssyncadd.s32 $0xFFFFB000  }
0x138: {  	_ =	sfence.sel $0x180000  }
0x139: {  	[bflag:$0x0] =	sbarrier.arrive $0xFFFF  }
0x13a: {  	p0 =	sne.s32 s0, $0x0;
	_ =	strace $0x90000047  }
0x13b: {  	s0 =	sadd.s32 @!p0 $0x100000, s2;
	[bflag:$0x2] =	sbarrier.arrive $0xFFFF  }
0x13c: {  	[sflag:s0] =	ssyncadd.tile.s32 @!p0 $0x1;
	_ =	shalt  }
.Lfunc_end2:
_tile_overlayer_lowered:
.L_overlay_start_2:
0x13d: {  	(tag) =	ssettag $0x2  }
0x13e: {  	s0 =	rddreg [dreg:$0x0];
	s2 =	stileid.u32  }
0x13f: {  	s1 =	rddreg [dreg:$0x1];
	p0 =	sne.s32 s2, $0x0  }
0x140: {  	s3 =	rddreg [dreg:$0x2];
	[bflag:$0x3] =	sbarrier.arrive $0xFFFF;
	s2 =	simm.s32 @!p0 $0x1C04  }
0x141: {  	[timem:s3], [sflag:s2] =	dma.local @!p0 [hbm:s0], s1  }
0x142: {  	s0 =	simm.s32 @!p0 $0x4  }
0x143: {  	_ =	swait.ge @!p0 [sflag:s0], s1  }
0x144: {  	s1 =	ssub.s32 @!p0 $0x0, s1;
	[sflag:s0] =	ssyncset.done @!p0 $0x0  }
0x145: {  	[sflag:s0] =	ssyncadd.s32 @!p0 s1  }
0x146: {  	[bflag:$0x3] =	sbarrier.arrive $0xFFFF  }
0x147: {  	_ =	shalt  }

</sc_bundles>
